<compile_context>
chip_gen: v7x
topology: tpu7x:2x2x1
jax: 0.10.2.dev20260603
libtpu: 0.0.44.dev20260713+nightly
codegen_flags: <defaults>
</compile_context>

<pallas_src>
import jax
import jax.numpy as jnp
from jax import lax
from jax.experimental import pallas as pl
from jax.experimental.pallas import tpu as pltpu
from jax.experimental.pallas import tpu_sc as plsc

N = 10000
E = 320000
D = 128
DH = D // 2

NC = 2
NS = 16
NW = NC * NS
CHUNK = 80
EPW = E // NW
NCH_W = EPW // CHUNK
EPS = E // NS
NCH_S = EPS // CHUNK
STRIPE = N // NS
HWID = 16

_mesh = plsc.VectorSubcoreMesh(core_axis_name="c", subcore_axis_name="s")
_sc_params = pltpu.CompilerParams(use_tc_tiling_on_sc=False)


def _hist_body(dstc_hbm, hist_hbm, dst_v, ones_v, zero_v, acc_sh, hsem):
    cid = lax.axis_index("c")
    sid = lax.axis_index("s")
    wid = cid * NS + sid
    one16 = jnp.ones((16,), jnp.float32)
    zero16 = jnp.zeros((16,), jnp.float32)

    def _init_ones(i, _):
        ones_v[i] = one16
        return 0

    lax.fori_loop(0, CHUNK, _init_ones, 0)

    def _init_zero(i, _):
        zero_v[i] = zero16
        return 0

    lax.fori_loop(0, STRIPE, _init_zero, 0)
    pltpu.sync_copy(zero_v, acc_sh.at[pl.ds(sid * STRIPE, STRIPE)])
    plsc.subcore_barrier()

    pltpu.sync_copy(dstc_hbm.at[wid], dst_v)

    def _chunk(j, _):
        pltpu.async_copy(ones_v, acc_sh.at[dst_v.at[j]], hsem, add=True)
        return 0

    lax.fori_loop(0, NCH_W, _chunk, 0)

    def _drain(j, _):
        pltpu.make_async_copy(ones_v, acc_sh.at[dst_v.at[j]], hsem).wait()
        return 0

    lax.fori_loop(0, NCH_W, _drain, 0)
    plsc.subcore_barrier()
    pltpu.sync_copy(acc_sh.at[pl.ds(sid * STRIPE, STRIPE)], hist_hbm.at[cid, sid])


_hist = pl.kernel(
    _hist_body,
    out_type=jax.ShapeDtypeStruct((NC, NS, STRIPE, HWID), jnp.float32),
    mesh=_mesh,
    scratch_types=[
        pltpu.VMEM((NCH_W, CHUNK), jnp.int32),
        pltpu.VMEM((CHUNK, HWID), jnp.float32),
        pltpu.VMEM((STRIPE, HWID), jnp.float32),
        pltpu.VMEM_SHARED((N, HWID), jnp.float32),
        pltpu.SemaphoreType.DMA,
    ],
    compiler_params=_sc_params,
)


_NBUF = 5


def _scat_body(src_hbm, dstc_hbm, hs2_hbm, out_hbm,
               src_v, dst_v, r0, r1, r2, r3, r4, zero_v, acc_sh,
               s0, s1, s2, s3, s4):
    cid = lax.axis_index("c")
    sid = lax.axis_index("s")
    z16 = jnp.zeros((16,), jnp.float32)
    bufs = (r0, r1, r2, r3, r4)
    sems = (s0, s1, s2, s3, s4)

    def _zrow(i, _):
        for k in range(DH // 16):
            zero_v[i, pl.ds(k * 16, 16)] = z16
        return 0

    lax.fori_loop(0, 125, _zrow, 0)
    for t in range(STRIPE // 125):
        pltpu.sync_copy(zero_v, acc_sh.at[pl.ds(sid * STRIPE + t * 125, 125)])

    pltpu.sync_copy(src_hbm.at[sid], src_v)
    pltpu.sync_copy(dstc_hbm.at[sid], dst_v)
    plsc.subcore_barrier()

    hs_c = hs2_hbm.at[cid]
    last = NCH_S - 1

    for l in range(_NBUF - 1):
        pltpu.async_copy(hs_c.at[src_v.at[l]], bufs[l], sems[l])

    def _round(t, _):
        base = _NBUF * t
        for l in range(_NBUF):
            j = base + l
            pltpu.make_async_copy(hs_c.at[src_v.at[j]], bufs[l], sems[l]).wait()
            pltpu.sync_copy(bufs[l], acc_sh.at[dst_v.at[j]], add=True)
            nxt = jnp.minimum(j + _NBUF - 1, last)
            bn = (l + _NBUF - 1) % _NBUF
            pltpu.async_copy(hs_c.at[src_v.at[nxt]], bufs[bn], sems[bn])
        return 0

    lax.fori_loop(0, NCH_S // _NBUF, _round, 0)
    for l in range(_NBUF - 1):
        pltpu.make_async_copy(hs_c.at[src_v.at[last]], bufs[l], sems[l]).wait()
    plsc.subcore_barrier()
    pltpu.sync_copy(acc_sh.at[pl.ds(sid * STRIPE, STRIPE)], out_hbm.at[cid, sid])


_scatter = pl.kernel(
    _scat_body,
    out_type=jax.ShapeDtypeStruct((NC, NS, STRIPE, DH), jnp.float32),
    mesh=_mesh,
    scratch_types=[
        pltpu.VMEM((NCH_S, CHUNK), jnp.int32),
        pltpu.VMEM((NCH_S, CHUNK), jnp.int32),
    ] + [pltpu.VMEM((CHUNK, DH), jnp.float32)] * _NBUF + [
        pltpu.VMEM((125, DH), jnp.float32),
        pltpu.VMEM_SHARED((N, DH), jnp.float32),
    ] + [pltpu.SemaphoreType.DMA] * _NBUF,
    compiler_params=_sc_params,
)


_RB = 400
_NB = N // _RB


def _mm_body(hist_ref, emb_ref, w_ref, hs2_ref):
    deg = hist_ref[0] + hist_ref[1] + 1.0
    dinv = lax.rsqrt(deg)[:, :1]
    h = jnp.dot(emb_ref[...], w_ref[...], preferred_element_type=jnp.float32)
    hs = h * dinv
    hs2_ref[0] = hs[:, :DH]
    hs2_ref[1] = hs[:, DH:]


def _mm(hist, emb, w):
    return pl.pallas_call(
        _mm_body,
        grid=(_NB,),
        in_specs=[
            pl.BlockSpec((NC, _RB, HWID), lambda i: (0, i, 0)),
            pl.BlockSpec((_RB, D), lambda i: (i, 0)),
            pl.BlockSpec((D, D), lambda i: (0, 0)),
        ],
        out_specs=pl.BlockSpec((NC, _RB, DH), lambda i: (0, i, 0)),
        out_shape=jax.ShapeDtypeStruct((NC, N, DH), jnp.float32),
    )(hist, emb, w)


def _ep_body(acc_ref, hs2_ref, hist_ref, b_ref, out_ref):
    deg = hist_ref[0] + hist_ref[1] + 1.0
    dinv = lax.rsqrt(deg)[:, :1]
    s0 = (acc_ref[0] + hs2_ref[0]) * dinv
    s1 = (acc_ref[1] + hs2_ref[1]) * dinv
    out_ref[...] = jnp.concatenate([s0, s1], axis=1) + b_ref[...]


def _ep(acc, hs2, hist, b2):
    return pl.pallas_call(
        _ep_body,
        grid=(_NB,),
        in_specs=[
            pl.BlockSpec((NC, _RB, DH), lambda i: (0, i, 0)),
            pl.BlockSpec((NC, _RB, DH), lambda i: (0, i, 0)),
            pl.BlockSpec((NC, _RB, HWID), lambda i: (0, i, 0)),
            pl.BlockSpec((1, D), lambda i: (0, 0)),
        ],
        out_specs=pl.BlockSpec((_RB, D), lambda i: (i, 0)),
        out_shape=jax.ShapeDtypeStruct((N, D), jnp.float32),
    )(acc, hs2, hist, b2)


def kernel(embedding, top_to_bottom_edge_index, W, b):
    ei = top_to_bottom_edge_index.astype(jnp.int32)
    src_s = ei[0].reshape(NS, NCH_S, CHUNK)
    dst_s = ei[1].reshape(NS, NCH_S, CHUNK)
    dst_w = ei[1].reshape(NW, NCH_W, CHUNK)
    hist = _hist(dst_w).reshape(NC, N, HWID)
    hs2 = _mm(hist, embedding, W)
    acc = _scatter(src_s, dst_s, hs2).reshape(NC, N, DH)
    return _ep(acc, hs2, hist, b.reshape(1, D))

# --- scband reference (transcript-rebuilt; emitter-appended) ---
"""Pipeline reference for scband-top-to-bottom-layer-15590731285068 (READ-ONLY COPY).

The authoritative reference and input builder live on the scoring server;
editing this copy changes nothing except your own understanding.
"""

import jax, jax.numpy as jnp
import numpy as np

N_NODES = 10000
N_EDGES = 320000
D_IN = 128
D_OUT = 128


def setup_inputs(seed: int = 0) -> dict:
    key = jax.random.key(seed)
    k1, k2, k3, k4 = jax.random.split(key, 4)
    embedding = jax.random.normal(k1, (N_NODES, D_IN), dtype=jnp.float32)
    edge_index = jax.random.randint(k2, (2, N_EDGES), 0, N_NODES, dtype=jnp.int64)
    # GCNConv learned parameters (glorot-style init)
    W = jax.random.normal(k3, (D_IN, D_OUT), dtype=jnp.float32) * (1.0 / np.sqrt(D_IN))
    b = jnp.zeros((D_OUT,), dtype=jnp.float32)
    return {"embedding": embedding, "top_to_bottom_edge_index": edge_index, "W": W, "b": b}


def reference(embedding, top_to_bottom_edge_index, W, b):
    # Faithful GCNConv (PyG semantics): add self-loops, symmetric normalization,
    # linear transform, scatter-add aggregation, bias.
    N = embedding.shape[0]
    src = top_to_bottom_edge_index[0]
    dst = top_to_bottom_edge_index[1]
    loop = jnp.arange(N, dtype=src.dtype)
    src = jnp.concatenate([src, loop], axis=0)
    dst = jnp.concatenate([dst, loop], axis=0)
    # linear transform first (PyG applies lin before propagate)
    h = embedding @ W
    # degree of destination nodes (with self-loops)
    ones = jnp.ones(src.shape[0], dtype=h.dtype)
    deg = jnp.zeros((N,), dtype=h.dtype).at[dst].add(ones)
    deg_inv_sqrt = jnp.where(deg > 0, jax.lax.rsqrt(deg), 0.0)
    norm = deg_inv_sqrt[src] * deg_inv_sqrt[dst]
    # gather messages from source nodes, scale, scatter-add to destinations
    msg = h[src] * norm[:, None]
    out = jnp.zeros((N, h.shape[1]), dtype=h.dtype).at[dst].add(msg)
    return out + b

if __name__ == "__main__":
    import jax
    _d = setup_inputs()
    print(jax.jit(kernel)(*tuple(_d.values())))

</pallas_src>

<mosaic_0001>
#map = affine_map<(d0, d1) -> (0, 0, 0)>
#map1 = affine_map<(d0, d1) -> (0, 0, 0, 0)>
module attributes {stable_mosaic.version = 14 : i64} {
  func.func @_hist_body(%arg0: i32, %arg1: i32, %arg2: memref<32x125x80xi32, #tpu.memory_space<hbm>>, %arg3: memref<2x16x625x16xf32, #tpu.memory_space<hbm>>, %arg4: memref<125x80xi32, #tpu.memory_space<vmem>>, %arg5: memref<80x16xf32, #tpu.memory_space<vmem>>, %arg6: memref<625x16xf32, #tpu.memory_space<vmem>>, %arg7: memref<10000x16xf32, #tpu.memory_space<vmem_shared>>, %arg8: memref<!tpu.dma_semaphore, #tpu.memory_space<semaphore_mem>>) attributes {dimension_semantics = [#tpu.dimension_semantics<core_parallel>, #tpu.dimension_semantics<subcore_parallel>], iteration_bounds = array<i64: 2, 16>, scalar_prefetch = 0 : i64, scratch_operands = 5 : i64, tpu.core_type = #tpu.core_type<sc_vector_subcore>, window_params = [{transform_indices = #map}, {transform_indices = #map1}]} {
    %mul3A = arith.constant 16 : i32
    %mul3A_0 = arith.muli %arg0, %mul3A : i32
    %add3A = arith.addi %mul3A_0, %arg1 : i32
    %broadcast_in_dim3A = arith.constant 1.000000e+00 : f32
    %broadcast_in_dim3A_1 = vector.broadcast %broadcast_in_dim3A : f32 to vector<16xf32>
    %broadcast_in_dim3A_2 = arith.constant 0.000000e+00 : f32
    %broadcast_in_dim3A_3 = vector.broadcast %broadcast_in_dim3A_2 : f32 to vector<16xf32>
    %scan3A = arith.constant 0 : i32
    %scan3A_4 = arith.constant 0 : i32
    %scan3A_5 = arith.constant 80 : i32
    %scan3A_6 = arith.addi %scan3A_4, %scan3A_5 : i32
    %scan3A_7 = arith.constant 1 : i32
    %scan3A_8 = scf.for %scan3A_36 = %scan3A_4 to %scan3A_6 step %scan3A_7 iter_args(%scan3A_37 = %scan3A) -> (i32)  : i32 {
      %swap3A = arith.index_cast %scan3A_36 : i32 to index
      %swap3A_38 = arith.constant 0 : index
      %swap3A_39 = tpu.vector_load %arg5[%swap3A, %swap3A_38] {strides = array<i32>} : memref<80x16xf32, #tpu.memory_space<vmem>>, vector<1x16xf32>,
      %swap3A_40 = vector.shape_cast %swap3A_39 : vector<1x16xf32> to vector<16xf32>
      %swap3A_41 = vector.shape_cast %broadcast_in_dim3A_1 : vector<16xf32> to vector<1x16xf32>
      tpu.vector_store %arg5[%swap3A, %swap3A_38], %swap3A_41 {strides = array<i32>} : memref<80x16xf32, #tpu.memory_space<vmem>>, vector<1x16xf32>,
      %scan3A_42 = arith.constant 0 : i32
      scf.yield %scan3A_42 : i32
    }
    %scan3A_9 = arith.constant 80 : i32
    %scan3A_10 = arith.constant 0 : i32
    %scan3A_11 = arith.constant 0 : i32
    %scan3A_12 = arith.constant 625 : i32
    %scan3A_13 = arith.addi %scan3A_11, %scan3A_12 : i32
    %scan3A_14 = arith.constant 1 : i32
    %scan3A_15 = scf.for %scan3A_36 = %scan3A_11 to %scan3A_13 step %scan3A_14 iter_args(%scan3A_37 = %scan3A_10) -> (i32)  : i32 {
      %swap3A = arith.index_cast %scan3A_36 : i32 to index
      %swap3A_38 = arith.constant 0 : index
      %swap3A_39 = tpu.vector_load %arg6[%swap3A, %swap3A_38] {strides = array<i32>} : memref<625x16xf32, #tpu.memory_space<vmem>>, vector<1x16xf32>,
      %swap3A_40 = vector.shape_cast %swap3A_39 : vector<1x16xf32> to vector<16xf32>
      %swap3A_41 = vector.shape_cast %broadcast_in_dim3A_3 : vector<16xf32> to vector<1x16xf32>
      tpu.vector_store %arg6[%swap3A, %swap3A_38], %swap3A_41 {strides = array<i32>} : memref<625x16xf32, #tpu.memory_space<vmem>>, vector<1x16xf32>,
      %scan3A_42 = arith.constant 0 : i32
      scf.yield %scan3A_42 : i32
    }
    %scan3A_16 = arith.constant 625 : i32
    %mul3A_17 = arith.constant 625 : i32
    %mul3A_18 = arith.muli %arg1, %mul3A_17 : i32
    "tpu.region"() ({
      %run_scoped3A = tpu.sem_alloc : memref<!tpu.dma_semaphore, #tpu.memory_space<semaphore_mem>>
      %dma_start3A = arith.constant 0 : i32
      %dma_start3A_36 = tpu.memref_slice %arg7[%mul3A_18, %dma_start3A] : memref<10000x16xf32, #tpu.memory_space<vmem_shared>> -> memref<625x16xf32, #tpu.memory_space<vmem_shared>>
      %dma_start3A_37 = arith.constant 0 : i32
      %dma_start3A_38 = tpu.memref_slice %arg7[%mul3A_18, %dma_start3A_37] : memref<10000x16xf32, #tpu.memory_space<vmem_shared>> -> memref<625x16xf32, #tpu.memory_space<vmem_shared>>
      tpu.enqueue_dma source(%arg6 : memref<625x16xf32, #tpu.memory_space<vmem>>) target(%dma_start3A_38 : memref<625x16xf32, #tpu.memory_space<vmem_shared>>) target_semaphore(%run_scoped3A : memref<!tpu.dma_semaphore, #tpu.memory_space<semaphore_mem>>)
      %dma_wait3A = arith.constant 0 : i32
      %dma_wait3A_39 = tpu.memref_slice %arg7[%mul3A_18, %dma_wait3A] : memref<10000x16xf32, #tpu.memory_space<vmem_shared>> -> memref<625x16xf32, #tpu.memory_space<vmem_shared>>
      %dma_wait3A_40 = arith.constant 0 : i32
      %dma_wait3A_41 = tpu.memref_slice %arg7[%mul3A_18, %dma_wait3A_40] : memref<10000x16xf32, #tpu.memory_space<vmem_shared>> -> memref<625x16xf32, #tpu.memory_space<vmem_shared>>
      tpu.wait_dma2 semaphore(%run_scoped3A : memref<!tpu.dma_semaphore, #tpu.memory_space<semaphore_mem>>) src(%arg6 : memref<625x16xf32, #tpu.memory_space<vmem>>) dst(%dma_wait3A_41 : memref<625x16xf32, #tpu.memory_space<vmem_shared>>)
      tpu.yield
    }) : () -> ()
    %barrier3A = arith.constant 0 : index
    tpu.barrier barrier_id(%barrier3A)
    "tpu.region"() ({
      %run_scoped3A = tpu.sem_alloc : memref<!tpu.dma_semaphore, #tpu.memory_space<semaphore_mem>>
      %dma_start3A = arith.constant 0 : i32
      %dma_start3A_36 = arith.constant 0 : i32
      %dma_start3A_37 = tpu.memref_slice %arg2[%add3A, %dma_start3A, %dma_start3A_36] : memref<32x125x80xi32, #tpu.memory_space<hbm>> -> memref<1x125x80xi32, #tpu.memory_space<hbm>>
      %dma_start3A_38 = tpu.memref_squeeze %dma_start3A_37 : memref<1x125x80xi32, #tpu.memory_space<hbm>> -> memref<125x80xi32, #tpu.memory_space<hbm>>
      %dma_start3A_39 = arith.constant 0 : i32
      %dma_start3A_40 = arith.constant 0 : i32
      %dma_start3A_41 = tpu.memref_slice %arg2[%add3A, %dma_start3A_39, %dma_start3A_40] : memref<32x125x80xi32, #tpu.memory_space<hbm>> -> memref<1x125x80xi32, #tpu.memory_space<hbm>>
      %dma_start3A_42 = tpu.memref_squeeze %dma_start3A_41 : memref<1x125x80xi32, #tpu.memory_space<hbm>> -> memref<125x80xi32, #tpu.memory_space<hbm>>
      tpu.enqueue_dma source(%dma_start3A_42 : memref<125x80xi32, #tpu.memory_space<hbm>>) target(%arg4 : memref<125x80xi32, #tpu.memory_space<vmem>>) target_semaphore(%run_scoped3A : memref<!tpu.dma_semaphore, #tpu.memory_space<semaphore_mem>>)
      %dma_wait3A = arith.constant 0 : i32
      %dma_wait3A_43 = arith.constant 0 : i32
      %dma_wait3A_44 = tpu.memref_slice %arg2[%add3A, %dma_wait3A, %dma_wait3A_43] : memref<32x125x80xi32, #tpu.memory_space<hbm>> -> memref<1x125x80xi32, #tpu.memory_space<hbm>>
      %dma_wait3A_45 = tpu.memref_squeeze %dma_wait3A_44 : memref<1x125x80xi32, #tpu.memory_space<hbm>> -> memref<125x80xi32, #tpu.memory_space<hbm>>
      %dma_wait3A_46 = arith.constant 0 : i32
      %dma_wait3A_47 = arith.constant 0 : i32
      %dma_wait3A_48 = tpu.memref_slice %arg2[%add3A, %dma_wait3A_46, %dma_wait3A_47] : memref<32x125x80xi32, #tpu.memory_space<hbm>> -> memref<1x125x80xi32, #tpu.memory_space<hbm>>
      %dma_wait3A_49 = tpu.memref_squeeze %dma_wait3A_48 : memref<1x125x80xi32, #tpu.memory_space<hbm>> -> memref<125x80xi32, #tpu.memory_space<hbm>>
      tpu.wait_dma2 semaphore(%run_scoped3A : memref<!tpu.dma_semaphore, #tpu.memory_space<semaphore_mem>>) src(%dma_wait3A_49 : memref<125x80xi32, #tpu.memory_space<hbm>>) dst(%arg4 : memref<125x80xi32, #tpu.memory_space<vmem>>)
      tpu.yield
    }) : () -> ()
    %scan3A_19 = arith.constant 0 : i32
    %scan3A_20 = arith.constant 0 : i32
    %scan3A_21 = arith.constant 125 : i32
    %scan3A_22 = arith.addi %scan3A_20, %scan3A_21 : i32
    %scan3A_23 = arith.constant 1 : i32
    %scan3A_24 = scf.for %scan3A_36 = %scan3A_20 to %scan3A_22 step %scan3A_23 iter_args(%scan3A_37 = %scan3A_19) -> (i32)  : i32 {
      %dma_start3A = arith.constant 0 : i32
      %dma_start3A_38 = tpu.memref_slice %arg4[%scan3A_36, %dma_start3A] : memref<125x80xi32, #tpu.memory_space<vmem>> -> memref<1x80xi32, #tpu.memory_space<vmem>>
      %dma_start3A_39 = tpu.memref_squeeze %dma_start3A_38 : memref<1x80xi32, #tpu.memory_space<vmem>> -> memref<80xi32, #tpu.memory_space<vmem>>
      %dma_start3A_40 = arith.constant 0 : i32
      %dma_start3A_41 = arith.constant 0 : i32
      %dma_start3A_42 = tpu.memref_slice %arg7[%dma_start3A_40, %dma_start3A_41] : memref<10000x16xf32, #tpu.memory_space<vmem_shared>> -> memref<10000x16xf32, #tpu.memory_space<vmem_shared>>
      tpu.enqueue_indirect_dma source(%arg5 : memref<80x16xf32, #tpu.memory_space<vmem>>) target(%dma_start3A_42 : memref<10000x16xf32, #tpu.memory_space<vmem_shared>>) offsets(%dma_start3A_39 : memref<80xi32, #tpu.memory_space<vmem>>) semaphore(%arg8 : memref<!tpu.dma_semaphore, #tpu.memory_space<semaphore_mem>>) {add = true}
      %scan3A_43 = arith.constant 0 : i32
      scf.yield %scan3A_43 : i32
    }
    %scan3A_25 = arith.constant 125 : i32
    %scan3A_26 = arith.constant 0 : i32
    %scan3A_27 = arith.constant 0 : i32
    %scan3A_28 = arith.constant 125 : i32
    %scan3A_29 = arith.addi %scan3A_27, %scan3A_28 : i32
    %scan3A_30 = arith.constant 1 : i32
    %scan3A_31 = scf.for %scan3A_36 = %scan3A_27 to %scan3A_29 step %scan3A_30 iter_args(%scan3A_37 = %scan3A_26) -> (i32)  : i32 {
      %dma_wait3A = arith.constant 0 : i32
      %dma_wait3A_38 = tpu.memref_slice %arg4[%scan3A_36, %dma_wait3A] : memref<125x80xi32, #tpu.memory_space<vmem>> -> memref<1x80xi32, #tpu.memory_space<vmem>>
      %dma_wait3A_39 = tpu.memref_squeeze %dma_wait3A_38 : memref<1x80xi32, #tpu.memory_space<vmem>> -> memref<80xi32, #tpu.memory_space<vmem>>
      %dma_wait3A_40 = arith.constant 0 : i32
      %dma_wait3A_41 = arith.constant 0 : i32
      %dma_wait3A_42 = tpu.memref_slice %arg7[%dma_wait3A_40, %dma_wait3A_41] : memref<10000x16xf32, #tpu.memory_space<vmem_shared>> -> memref<10000x16xf32, #tpu.memory_space<vmem_shared>>
      tpu.wait_indirect_dma semaphore(%arg8 : memref<!tpu.dma_semaphore, #tpu.memory_space<semaphore_mem>>) src(%arg5 : memref<80x16xf32, #tpu.memory_space<vmem>>) dst(%dma_wait3A_42 : memref<10000x16xf32, #tpu.memory_space<vmem_shared>>)
      %scan3A_43 = arith.constant 0 : i32
      scf.yield %scan3A_43 : i32
    }
    %scan3A_32 = arith.constant 125 : i32
    %barrier3A_33 = arith.constant 0 : index
    tpu.barrier barrier_id(%barrier3A_33)
    %mul3A_34 = arith.constant 625 : i32
    %mul3A_35 = arith.muli %arg1, %mul3A_34 : i32
    "tpu.region"() ({
      %run_scoped3A = tpu.sem_alloc : memref<!tpu.dma_semaphore, #tpu.memory_space<semaphore_mem>>
      %dma_start3A = arith.constant 0 : i32
      %dma_start3A_36 = arith.constant 0 : i32
      %dma_start3A_37 = tpu.memref_slice %arg3[%arg0, %arg1, %dma_start3A, %dma_start3A_36] : memref<2x16x625x16xf32, #tpu.memory_space<hbm>> -> memref<1x1x625x16xf32, #tpu.memory_space<hbm>>
      %dma_start3A_38 = tpu.memref_squeeze %dma_start3A_37 : memref<1x1x625x16xf32, #tpu.memory_space<hbm>> -> memref<625x16xf32, #tpu.memory_space<hbm>>
      %dma_start3A_39 = arith.constant 0 : i32
      %dma_start3A_40 = tpu.memref_slice %arg7[%mul3A_35, %dma_start3A_39] : memref<10000x16xf32, #tpu.memory_space<vmem_shared>> -> memref<625x16xf32, #tpu.memory_space<vmem_shared>>
      tpu.enqueue_dma source(%dma_start3A_40 : memref<625x16xf32, #tpu.memory_space<vmem_shared>>) target(%dma_start3A_38 : memref<625x16xf32, #tpu.memory_space<hbm>>) target_semaphore(%run_scoped3A : memref<!tpu.dma_semaphore, #tpu.memory_space<semaphore_mem>>)
      %dma_wait3A = arith.constant 0 : i32
      %dma_wait3A_41 = arith.constant 0 : i32
      %dma_wait3A_42 = tpu.memref_slice %arg3[%arg0, %arg1, %dma_wait3A, %dma_wait3A_41] : memref<2x16x625x16xf32, #tpu.memory_space<hbm>> -> memref<1x1x625x16xf32, #tpu.memory_space<hbm>>
      %dma_wait3A_43 = tpu.memref_squeeze %dma_wait3A_42 : memref<1x1x625x16xf32, #tpu.memory_space<hbm>> -> memref<625x16xf32, #tpu.memory_space<hbm>>
      %dma_wait3A_44 = arith.constant 0 : i32
      %dma_wait3A_45 = tpu.memref_slice %arg7[%mul3A_35, %dma_wait3A_44] : memref<10000x16xf32, #tpu.memory_space<vmem_shared>> -> memref<625x16xf32, #tpu.memory_space<vmem_shared>>
      tpu.wait_dma2 semaphore(%run_scoped3A : memref<!tpu.dma_semaphore, #tpu.memory_space<semaphore_mem>>) src(%dma_wait3A_45 : memref<625x16xf32, #tpu.memory_space<vmem_shared>>) dst(%dma_wait3A_43 : memref<625x16xf32, #tpu.memory_space<hbm>>)
      tpu.yield
    }) : () -> ()
    return
  }
}

#map = affine_map<(d0, d1) -> (0, 0, 0)>
#map1 = affine_map<(d0, d1) -> (0, 0, 0, 0)>
module attributes {stable_mosaic.version = 14 : i64} {
  func.func @_scat_body(%arg0: i32, %arg1: i32, %arg2: memref<16x250x80xi32, #tpu.memory_space<hbm>>, %arg3: memref<16x250x80xi32, #tpu.memory_space<hbm>>, %arg4: memref<2x10000x64xf32, #tpu.memory_space<hbm>>, %arg5: memref<2x16x625x64xf32, #tpu.memory_space<hbm>>, %arg6: memref<250x80xi32, #tpu.memory_space<vmem>>, %arg7: memref<250x80xi32, #tpu.memory_space<vmem>>, %arg8: memref<80x64xf32, #tpu.memory_space<vmem>>, %arg9: memref<80x64xf32, #tpu.memory_space<vmem>>, %arg10: memref<80x64xf32, #tpu.memory_space<vmem>>, %arg11: memref<80x64xf32, #tpu.memory_space<vmem>>, %arg12: memref<80x64xf32, #tpu.memory_space<vmem>>, %arg13: memref<125x64xf32, #tpu.memory_space<vmem>>, %arg14: memref<10000x64xf32, #tpu.memory_space<vmem_shared>>, %arg15: memref<!tpu.dma_semaphore, #tpu.memory_space<semaphore_mem>>, %arg16: memref<!tpu.dma_semaphore, #tpu.memory_space<semaphore_mem>>, %arg17: memref<!tpu.dma_semaphore, #tpu.memory_space<semaphore_mem>>, %arg18: memref<!tpu.dma_semaphore, #tpu.memory_space<semaphore_mem>>, %arg19: memref<!tpu.dma_semaphore, #tpu.memory_space<semaphore_mem>>) attributes {dimension_semantics = [#tpu.dimension_semantics<core_parallel>, #tpu.dimension_semantics<subcore_parallel>], iteration_bounds = array<i64: 2, 16>, scalar_prefetch = 0 : i64, scratch_operands = 14 : i64, tpu.core_type = #tpu.core_type<sc_vector_subcore>, window_params = [{transform_indices = #map}, {transform_indices = #map}, {transform_indices = #map}, {transform_indices = #map1}]} {
    %broadcast_in_dim3A = arith.constant 0.000000e+00 : f32
    %broadcast_in_dim3A_0 = vector.broadcast %broadcast_in_dim3A : f32 to vector<16xf32>
    %scan3A = arith.constant 0 : i32
    %scan3A_1 = arith.constant 0 : i32
    %scan3A_2 = arith.constant 125 : i32
    %scan3A_3 = arith.addi %scan3A_1, %scan3A_2 : i32
    %scan3A_4 = arith.constant 1 : i32
    %scan3A_5 = scf.for %scan3A_121 = %scan3A_1 to %scan3A_3 step %scan3A_4 iter_args(%scan3A_122 = %scan3A) -> (i32)  : i32 {
      %swap3A = arith.index_cast %scan3A_121 : i32 to index
      %swap3A_123 = arith.constant 0 : index
      %swap3A_124 = tpu.vector_load %arg13[%swap3A, %swap3A_123] {strides = array<i32>} : memref<125x64xf32, #tpu.memory_space<vmem>>, vector<1x16xf32>,
      %swap3A_125 = vector.shape_cast %swap3A_124 : vector<1x16xf32> to vector<16xf32>
      %swap3A_126 = vector.shape_cast %broadcast_in_dim3A_0 : vector<16xf32> to vector<1x16xf32>
      tpu.vector_store %arg13[%swap3A, %swap3A_123], %swap3A_126 {strides = array<i32>} : memref<125x64xf32, #tpu.memory_space<vmem>>, vector<1x16xf32>,
      %swap3A_127 = arith.index_cast %scan3A_121 : i32 to index
      %swap3A_128 = arith.constant 16 : index
      %swap3A_129 = tpu.vector_load %arg13[%swap3A_127, %swap3A_128] {strides = array<i32>} : memref<125x64xf32, #tpu.memory_space<vmem>>, vector<1x16xf32>,
      %swap3A_130 = vector.shape_cast %swap3A_129 : vector<1x16xf32> to vector<16xf32>
      %swap3A_131 = vector.shape_cast %broadcast_in_dim3A_0 : vector<16xf32> to vector<1x16xf32>
      tpu.vector_store %arg13[%swap3A_127, %swap3A_128], %swap3A_131 {strides = array<i32>} : memref<125x64xf32, #tpu.memory_space<vmem>>, vector<1x16xf32>,
      %swap3A_132 = arith.index_cast %scan3A_121 : i32 to index
      %swap3A_133 = arith.constant 32 : index
      %swap3A_134 = tpu.vector_load %arg13[%swap3A_132, %swap3A_133] {strides = array<i32>} : memref<125x64xf32, #tpu.memory_space<vmem>>, vector<1x16xf32>,
      %swap3A_135 = vector.shape_cast %swap3A_134 : vector<1x16xf32> to vector<16xf32>
      %swap3A_136 = vector.shape_cast %broadcast_in_dim3A_0 : vector<16xf32> to vector<1x16xf32>
      tpu.vector_store %arg13[%swap3A_132, %swap3A_133], %swap3A_136 {strides = array<i32>} : memref<125x64xf32, #tpu.memory_space<vmem>>, vector<1x16xf32>,
      %swap3A_137 = arith.index_cast %scan3A_121 : i32 to index
      %swap3A_138 = arith.constant 48 : index
      %swap3A_139 = tpu.vector_load %arg13[%swap3A_137, %swap3A_138] {strides = array<i32>} : memref<125x64xf32, #tpu.memory_space<vmem>>, vector<1x16xf32>,
      %swap3A_140 = vector.shape_cast %swap3A_139 : vector<1x16xf32> to vector<16xf32>
      %swap3A_141 = vector.shape_cast %broadcast_in_dim3A_0 : vector<16xf32> to vector<1x16xf32>
      tpu.vector_store %arg13[%swap3A_137, %swap3A_138], %swap3A_141 {strides = array<i32>} : memref<125x64xf32, #tpu.memory_space<vmem>>, vector<1x16xf32>,
      %scan3A_142 = arith.constant 0 : i32
      scf.yield %scan3A_142 : i32
    }
    %scan3A_6 = arith.constant 125 : i32
    %mul3A = arith.constant 625 : i32
    %mul3A_7 = arith.muli %arg1, %mul3A : i32
    %add3A = arith.constant 0 : i32
    %add3A_8 = arith.addi %mul3A_7, %add3A : i32
    "tpu.region"() ({
      %run_scoped3A = tpu.sem_alloc : memref<!tpu.dma_semaphore, #tpu.memory_space<semaphore_mem>>
      %dma_start3A_121 = arith.constant 0 : i32
      %dma_start3A_122 = tpu.memref_slice %arg14[%add3A_8, %dma_start3A_121] : memref<10000x64xf32, #tpu.memory_space<vmem_shared>> -> memref<125x64xf32, #tpu.memory_space<vmem_shared>>
      %dma_start3A_123 = arith.constant 0 : i32
      %dma_start3A_124 = tpu.memref_slice %arg14[%add3A_8, %dma_start3A_123] : memref<10000x64xf32, #tpu.memory_space<vmem_shared>> -> memref<125x64xf32, #tpu.memory_space<vmem_shared>>
      tpu.enqueue_dma source(%arg13 : memref<125x64xf32, #tpu.memory_space<vmem>>) target(%dma_start3A_124 : memref<125x64xf32, #tpu.memory_space<vmem_shared>>) target_semaphore(%run_scoped3A : memref<!tpu.dma_semaphore, #tpu.memory_space<semaphore_mem>>)
      %dma_wait3A_125 = arith.constant 0 : i32
      %dma_wait3A_126 = tpu.memref_slice %arg14[%add3A_8, %dma_wait3A_125] : memref<10000x64xf32, #tpu.memory_space<vmem_shared>> -> memref<125x64xf32, #tpu.memory_space<vmem_shared>>
      %dma_wait3A_127 = arith.constant 0 : i32
      %dma_wait3A_128 = tpu.memref_slice %arg14[%add3A_8, %dma_wait3A_127] : memref<10000x64xf32, #tpu.memory_space<vmem_shared>> -> memref<125x64xf32, #tpu.memory_space<vmem_shared>>
      tpu.wait_dma2 semaphore(%run_scoped3A : memref<!tpu.dma_semaphore, #tpu.memory_space<semaphore_mem>>) src(%arg13 : memref<125x64xf32, #tpu.memory_space<vmem>>) dst(%dma_wait3A_128 : memref<125x64xf32, #tpu.memory_space<vmem_shared>>)
      tpu.yield
    }) : () -> ()
    %mul3A_9 = arith.constant 625 : i32
    %mul3A_10 = arith.muli %arg1, %mul3A_9 : i32
    %add3A_11 = arith.constant 125 : i32
    %add3A_12 = arith.addi %mul3A_10, %add3A_11 : i32
    "tpu.region"() ({
      %run_scoped3A = tpu.sem_alloc : memref<!tpu.dma_semaphore, #tpu.memory_space<semaphore_mem>>
      %dma_start3A_121 = arith.constant 0 : i32
      %dma_start3A_122 = tpu.memref_slice %arg14[%add3A_12, %dma_start3A_121] : memref<10000x64xf32, #tpu.memory_space<vmem_shared>> -> memref<125x64xf32, #tpu.memory_space<vmem_shared>>
      %dma_start3A_123 = arith.constant 0 : i32
      %dma_start3A_124 = tpu.memref_slice %arg14[%add3A_12, %dma_start3A_123] : memref<10000x64xf32, #tpu.memory_space<vmem_shared>> -> memref<125x64xf32, #tpu.memory_space<vmem_shared>>
      tpu.enqueue_dma source(%arg13 : memref<125x64xf32, #tpu.memory_space<vmem>>) target(%dma_start3A_124 : memref<125x64xf32, #tpu.memory_space<vmem_shared>>) target_semaphore(%run_scoped3A : memref<!tpu.dma_semaphore, #tpu.memory_space<semaphore_mem>>)
      %dma_wait3A_125 = arith.constant 0 : i32
      %dma_wait3A_126 = tpu.memref_slice %arg14[%add3A_12, %dma_wait3A_125] : memref<10000x64xf32, #tpu.memory_space<vmem_shared>> -> memref<125x64xf32, #tpu.memory_space<vmem_shared>>
      %dma_wait3A_127 = arith.constant 0 : i32
      %dma_wait3A_128 = tpu.memref_slice %arg14[%add3A_12, %dma_wait3A_127] : memref<10000x64xf32, #tpu.memory_space<vmem_shared>> -> memref<125x64xf32, #tpu.memory_space<vmem_shared>>
      tpu.wait_dma2 semaphore(%run_scoped3A : memref<!tpu.dma_semaphore, #tpu.memory_space<semaphore_mem>>) src(%arg13 : memref<125x64xf32, #tpu.memory_space<vmem>>) dst(%dma_wait3A_128 : memref<125x64xf32, #tpu.memory_space<vmem_shared>>)
      tpu.yield
    }) : () -> ()
    %mul3A_13 = arith.constant 625 : i32
    %mul3A_14 = arith.muli %arg1, %mul3A_13 : i32
    %add3A_15 = arith.constant 250 : i32
    %add3A_16 = arith.addi %mul3A_14, %add3A_15 : i32
    "tpu.region"() ({
      %run_scoped3A = tpu.sem_alloc : memref<!tpu.dma_semaphore, #tpu.memory_space<semaphore_mem>>
      %dma_start3A_121 = arith.constant 0 : i32
      %dma_start3A_122 = tpu.memref_slice %arg14[%add3A_16, %dma_start3A_121] : memref<10000x64xf32, #tpu.memory_space<vmem_shared>> -> memref<125x64xf32, #tpu.memory_space<vmem_shared>>
      %dma_start3A_123 = arith.constant 0 : i32
      %dma_start3A_124 = tpu.memref_slice %arg14[%add3A_16, %dma_start3A_123] : memref<10000x64xf32, #tpu.memory_space<vmem_shared>> -> memref<125x64xf32, #tpu.memory_space<vmem_shared>>
      tpu.enqueue_dma source(%arg13 : memref<125x64xf32, #tpu.memory_space<vmem>>) target(%dma_start3A_124 : memref<125x64xf32, #tpu.memory_space<vmem_shared>>) target_semaphore(%run_scoped3A : memref<!tpu.dma_semaphore, #tpu.memory_space<semaphore_mem>>)
      %dma_wait3A_125 = arith.constant 0 : i32
      %dma_wait3A_126 = tpu.memref_slice %arg14[%add3A_16, %dma_wait3A_125] : memref<10000x64xf32, #tpu.memory_space<vmem_shared>> -> memref<125x64xf32, #tpu.memory_space<vmem_shared>>
      %dma_wait3A_127 = arith.constant 0 : i32
      %dma_wait3A_128 = tpu.memref_slice %arg14[%add3A_16, %dma_wait3A_127] : memref<10000x64xf32, #tpu.memory_space<vmem_shared>> -> memref<125x64xf32, #tpu.memory_space<vmem_shared>>
      tpu.wait_dma2 semaphore(%run_scoped3A : memref<!tpu.dma_semaphore, #tpu.memory_space<semaphore_mem>>) src(%arg13 : memref<125x64xf32, #tpu.memory_space<vmem>>) dst(%dma_wait3A_128 : memref<125x64xf32, #tpu.memory_space<vmem_shared>>)
      tpu.yield
    }) : () -> ()
    %mul3A_17 = arith.constant 625 : i32
    %mul3A_18 = arith.muli %arg1, %mul3A_17 : i32
    %add3A_19 = arith.constant 375 : i32
    %add3A_20 = arith.addi %mul3A_18, %add3A_19 : i32
    "tpu.region"() ({
      %run_scoped3A = tpu.sem_alloc : memref<!tpu.dma_semaphore, #tpu.memory_space<semaphore_mem>>
      %dma_start3A_121 = arith.constant 0 : i32
      %dma_start3A_122 = tpu.memref_slice %arg14[%add3A_20, %dma_start3A_121] : memref<10000x64xf32, #tpu.memory_space<vmem_shared>> -> memref<125x64xf32, #tpu.memory_space<vmem_shared>>
      %dma_start3A_123 = arith.constant 0 : i32
      %dma_start3A_124 = tpu.memref_slice %arg14[%add3A_20, %dma_start3A_123] : memref<10000x64xf32, #tpu.memory_space<vmem_shared>> -> memref<125x64xf32, #tpu.memory_space<vmem_shared>>
      tpu.enqueue_dma source(%arg13 : memref<125x64xf32, #tpu.memory_space<vmem>>) target(%dma_start3A_124 : memref<125x64xf32, #tpu.memory_space<vmem_shared>>) target_semaphore(%run_scoped3A : memref<!tpu.dma_semaphore, #tpu.memory_space<semaphore_mem>>)
      %dma_wait3A_125 = arith.constant 0 : i32
      %dma_wait3A_126 = tpu.memref_slice %arg14[%add3A_20, %dma_wait3A_125] : memref<10000x64xf32, #tpu.memory_space<vmem_shared>> -> memref<125x64xf32, #tpu.memory_space<vmem_shared>>
      %dma_wait3A_127 = arith.constant 0 : i32
      %dma_wait3A_128 = tpu.memref_slice %arg14[%add3A_20, %dma_wait3A_127] : memref<10000x64xf32, #tpu.memory_space<vmem_shared>> -> memref<125x64xf32, #tpu.memory_space<vmem_shared>>
      tpu.wait_dma2 semaphore(%run_scoped3A : memref<!tpu.dma_semaphore, #tpu.memory_space<semaphore_mem>>) src(%arg13 : memref<125x64xf32, #tpu.memory_space<vmem>>) dst(%dma_wait3A_128 : memref<125x64xf32, #tpu.memory_space<vmem_shared>>)
      tpu.yield
    }) : () -> ()
    %mul3A_21 = arith.constant 625 : i32
    %mul3A_22 = arith.muli %arg1, %mul3A_21 : i32
    %add3A_23 = arith.constant 500 : i32
    %add3A_24 = arith.addi %mul3A_22, %add3A_23 : i32
    "tpu.region"() ({
      %run_scoped3A = tpu.sem_alloc : memref<!tpu.dma_semaphore, #tpu.memory_space<semaphore_mem>>
      %dma_start3A_121 = arith.constant 0 : i32
      %dma_start3A_122 = tpu.memref_slice %arg14[%add3A_24, %dma_start3A_121] : memref<10000x64xf32, #tpu.memory_space<vmem_shared>> -> memref<125x64xf32, #tpu.memory_space<vmem_shared>>
      %dma_start3A_123 = arith.constant 0 : i32
      %dma_start3A_124 = tpu.memref_slice %arg14[%add3A_24, %dma_start3A_123] : memref<10000x64xf32, #tpu.memory_space<vmem_shared>> -> memref<125x64xf32, #tpu.memory_space<vmem_shared>>
      tpu.enqueue_dma source(%arg13 : memref<125x64xf32, #tpu.memory_space<vmem>>) target(%dma_start3A_124 : memref<125x64xf32, #tpu.memory_space<vmem_shared>>) target_semaphore(%run_scoped3A : memref<!tpu.dma_semaphore, #tpu.memory_space<semaphore_mem>>)
      %dma_wait3A_125 = arith.constant 0 : i32
      %dma_wait3A_126 = tpu.memref_slice %arg14[%add3A_24, %dma_wait3A_125] : memref<10000x64xf32, #tpu.memory_space<vmem_shared>> -> memref<125x64xf32, #tpu.memory_space<vmem_shared>>
      %dma_wait3A_127 = arith.constant 0 : i32
      %dma_wait3A_128 = tpu.memref_slice %arg14[%add3A_24, %dma_wait3A_127] : memref<10000x64xf32, #tpu.memory_space<vmem_shared>> -> memref<125x64xf32, #tpu.memory_space<vmem_shared>>
      tpu.wait_dma2 semaphore(%run_scoped3A : memref<!tpu.dma_semaphore, #tpu.memory_space<semaphore_mem>>) src(%arg13 : memref<125x64xf32, #tpu.memory_space<vmem>>) dst(%dma_wait3A_128 : memref<125x64xf32, #tpu.memory_space<vmem_shared>>)
      tpu.yield
    }) : () -> ()
    "tpu.region"() ({
      %run_scoped3A = tpu.sem_alloc : memref<!tpu.dma_semaphore, #tpu.memory_space<semaphore_mem>>
      %dma_start3A_121 = arith.constant 0 : i32
      %dma_start3A_122 = arith.constant 0 : i32
      %dma_start3A_123 = tpu.memref_slice %arg2[%arg1, %dma_start3A_121, %dma_start3A_122] : memref<16x250x80xi32, #tpu.memory_space<hbm>> -> memref<1x250x80xi32, #tpu.memory_space<hbm>>
      %dma_start3A_124 = tpu.memref_squeeze %dma_start3A_123 : memref<1x250x80xi32, #tpu.memory_space<hbm>> -> memref<250x80xi32, #tpu.memory_space<hbm>>
      %dma_start3A_125 = arith.constant 0 : i32
      %dma_start3A_126 = arith.constant 0 : i32
      %dma_start3A_127 = tpu.memref_slice %arg2[%arg1, %dma_start3A_125, %dma_start3A_126] : memref<16x250x80xi32, #tpu.memory_space<hbm>> -> memref<1x250x80xi32, #tpu.memory_space<hbm>>
      %dma_start3A_128 = tpu.memref_squeeze %dma_start3A_127 : memref<1x250x80xi32, #tpu.memory_space<hbm>> -> memref<250x80xi32, #tpu.memory_space<hbm>>
      tpu.enqueue_dma source(%dma_start3A_128 : memref<250x80xi32, #tpu.memory_space<hbm>>) target(%arg6 : memref<250x80xi32, #tpu.memory_space<vmem>>) target_semaphore(%run_scoped3A : memref<!tpu.dma_semaphore, #tpu.memory_space<semaphore_mem>>)
      %dma_wait3A_129 = arith.constant 0 : i32
      %dma_wait3A_130 = arith.constant 0 : i32
      %dma_wait3A_131 = tpu.memref_slice %arg2[%arg1, %dma_wait3A_129, %dma_wait3A_130] : memref<16x250x80xi32, #tpu.memory_space<hbm>> -> memref<1x250x80xi32, #tpu.memory_space<hbm>>
      %dma_wait3A_132 = tpu.memref_squeeze %dma_wait3A_131 : memref<1x250x80xi32, #tpu.memory_space<hbm>> -> memref<250x80xi32, #tpu.memory_space<hbm>>
      %dma_wait3A_133 = arith.constant 0 : i32
      %dma_wait3A_134 = arith.constant 0 : i32
      %dma_wait3A_135 = tpu.memref_slice %arg2[%arg1, %dma_wait3A_133, %dma_wait3A_134] : memref<16x250x80xi32, #tpu.memory_space<hbm>> -> memref<1x250x80xi32, #tpu.memory_space<hbm>>
      %dma_wait3A_136 = tpu.memref_squeeze %dma_wait3A_135 : memref<1x250x80xi32, #tpu.memory_space<hbm>> -> memref<250x80xi32, #tpu.memory_space<hbm>>
      tpu.wait_dma2 semaphore(%run_scoped3A : memref<!tpu.dma_semaphore, #tpu.memory_space<semaphore_mem>>) src(%dma_wait3A_136 : memref<250x80xi32, #tpu.memory_space<hbm>>) dst(%arg6 : memref<250x80xi32, #tpu.memory_space<vmem>>)
      tpu.yield
    }) : () -> ()
    "tpu.region"() ({
      %run_scoped3A = tpu.sem_alloc : memref<!tpu.dma_semaphore, #tpu.memory_space<semaphore_mem>>
      %dma_start3A_121 = arith.constant 0 : i32
      %dma_start3A_122 = arith.constant 0 : i32
      %dma_start3A_123 = tpu.memref_slice %arg3[%arg1, %dma_start3A_121, %dma_start3A_122] : memref<16x250x80xi32, #tpu.memory_space<hbm>> -> memref<1x250x80xi32, #tpu.memory_space<hbm>>
      %dma_start3A_124 = tpu.memref_squeeze %dma_start3A_123 : memref<1x250x80xi32, #tpu.memory_space<hbm>> -> memref<250x80xi32, #tpu.memory_space<hbm>>
      %dma_start3A_125 = arith.constant 0 : i32
      %dma_start3A_126 = arith.constant 0 : i32
      %dma_start3A_127 = tpu.memref_slice %arg3[%arg1, %dma_start3A_125, %dma_start3A_126] : memref<16x250x80xi32, #tpu.memory_space<hbm>> -> memref<1x250x80xi32, #tpu.memory_space<hbm>>
      %dma_start3A_128 = tpu.memref_squeeze %dma_start3A_127 : memref<1x250x80xi32, #tpu.memory_space<hbm>> -> memref<250x80xi32, #tpu.memory_space<hbm>>
      tpu.enqueue_dma source(%dma_start3A_128 : memref<250x80xi32, #tpu.memory_space<hbm>>) target(%arg7 : memref<250x80xi32, #tpu.memory_space<vmem>>) target_semaphore(%run_scoped3A : memref<!tpu.dma_semaphore, #tpu.memory_space<semaphore_mem>>)
      %dma_wait3A_129 = arith.constant 0 : i32
      %dma_wait3A_130 = arith.constant 0 : i32
      %dma_wait3A_131 = tpu.memref_slice %arg3[%arg1, %dma_wait3A_129, %dma_wait3A_130] : memref<16x250x80xi32, #tpu.memory_space<hbm>> -> memref<1x250x80xi32, #tpu.memory_space<hbm>>
      %dma_wait3A_132 = tpu.memref_squeeze %dma_wait3A_131 : memref<1x250x80xi32, #tpu.memory_space<hbm>> -> memref<250x80xi32, #tpu.memory_space<hbm>>
      %dma_wait3A_133 = arith.constant 0 : i32
      %dma_wait3A_134 = arith.constant 0 : i32
      %dma_wait3A_135 = tpu.memref_slice %arg3[%arg1, %dma_wait3A_133, %dma_wait3A_134] : memref<16x250x80xi32, #tpu.memory_space<hbm>> -> memref<1x250x80xi32, #tpu.memory_space<hbm>>
      %dma_wait3A_136 = tpu.memref_squeeze %dma_wait3A_135 : memref<1x250x80xi32, #tpu.memory_space<hbm>> -> memref<250x80xi32, #tpu.memory_space<hbm>>
      tpu.wait_dma2 semaphore(%run_scoped3A : memref<!tpu.dma_semaphore, #tpu.memory_space<semaphore_mem>>) src(%dma_wait3A_136 : memref<250x80xi32, #tpu.memory_space<hbm>>) dst(%arg7 : memref<250x80xi32, #tpu.memory_space<vmem>>)
      tpu.yield
    }) : () -> ()
    %barrier3A = arith.constant 0 : index
    tpu.barrier barrier_id(%barrier3A)
    %dma_start3A = arith.constant 0 : i32
    %dma_start3A_25 = arith.constant 0 : i32
    %dma_start3A_26 = tpu.memref_slice %arg6[%dma_start3A, %dma_start3A_25] : memref<250x80xi32, #tpu.memory_space<vmem>> -> memref<1x80xi32, #tpu.memory_space<vmem>>
    %dma_start3A_27 = tpu.memref_squeeze %dma_start3A_26 : memref<1x80xi32, #tpu.memory_space<vmem>> -> memref<80xi32, #tpu.memory_space<vmem>>
    %dma_start3A_28 = arith.constant 0 : i32
    %dma_start3A_29 = arith.constant 0 : i32
    %dma_start3A_30 = tpu.memref_slice %arg4[%arg0, %dma_start3A_28, %dma_start3A_29] : memref<2x10000x64xf32, #tpu.memory_space<hbm>> -> memref<1x10000x64xf32, #tpu.memory_space<hbm>>
    %dma_start3A_31 = tpu.memref_squeeze %dma_start3A_30 : memref<1x10000x64xf32, #tpu.memory_space<hbm>> -> memref<10000x64xf32, #tpu.memory_space<hbm>>
    %dma_start3A_32 = arith.constant 0 : i32
    %dma_start3A_33 = arith.constant 0 : i32
    %dma_start3A_34 = tpu.memref_slice %dma_start3A_31[%dma_start3A_32, %dma_start3A_33] : memref<10000x64xf32, #tpu.memory_space<hbm>> -> memref<10000x64xf32, #tpu.memory_space<hbm>>
    tpu.enqueue_indirect_dma source(%dma_start3A_34 : memref<10000x64xf32, #tpu.memory_space<hbm>>) target(%arg8 : memref<80x64xf32, #tpu.memory_space<vmem>>) offsets(%dma_start3A_27 : memref<80xi32, #tpu.memory_space<vmem>>) semaphore(%arg15 : memref<!tpu.dma_semaphore, #tpu.memory_space<semaphore_mem>>)
    %dma_start3A_35 = arith.constant 1 : i32
    %dma_start3A_36 = arith.constant 0 : i32
    %dma_start3A_37 = tpu.memref_slice %arg6[%dma_start3A_35, %dma_start3A_36] : memref<250x80xi32, #tpu.memory_space<vmem>> -> memref<1x80xi32, #tpu.memory_space<vmem>>
    %dma_start3A_38 = tpu.memref_squeeze %dma_start3A_37 : memref<1x80xi32, #tpu.memory_space<vmem>> -> memref<80xi32, #tpu.memory_space<vmem>>
    %dma_start3A_39 = arith.constant 0 : i32
    %dma_start3A_40 = arith.constant 0 : i32
    %dma_start3A_41 = tpu.memref_slice %arg4[%arg0, %dma_start3A_39, %dma_start3A_40] : memref<2x10000x64xf32, #tpu.memory_space<hbm>> -> memref<1x10000x64xf32, #tpu.memory_space<hbm>>
    %dma_start3A_42 = tpu.memref_squeeze %dma_start3A_41 : memref<1x10000x64xf32, #tpu.memory_space<hbm>> -> memref<10000x64xf32, #tpu.memory_space<hbm>>
    %dma_start3A_43 = arith.constant 0 : i32
    %dma_start3A_44 = arith.constant 0 : i32
    %dma_start3A_45 = tpu.memref_slice %dma_start3A_42[%dma_start3A_43, %dma_start3A_44] : memref<10000x64xf32, #tpu.memory_space<hbm>> -> memref<10000x64xf32, #tpu.memory_space<hbm>>
    tpu.enqueue_indirect_dma source(%dma_start3A_45 : memref<10000x64xf32, #tpu.memory_space<hbm>>) target(%arg9 : memref<80x64xf32, #tpu.memory_space<vmem>>) offsets(%dma_start3A_38 : memref<80xi32, #tpu.memory_space<vmem>>) semaphore(%arg16 : memref<!tpu.dma_semaphore, #tpu.memory_space<semaphore_mem>>)
    %dma_start3A_46 = arith.constant 2 : i32
    %dma_start3A_47 = arith.constant 0 : i32
    %dma_start3A_48 = tpu.memref_slice %arg6[%dma_start3A_46, %dma_start3A_47] : memref<250x80xi32, #tpu.memory_space<vmem>> -> memref<1x80xi32, #tpu.memory_space<vmem>>
    %dma_start3A_49 = tpu.memref_squeeze %dma_start3A_48 : memref<1x80xi32, #tpu.memory_space<vmem>> -> memref<80xi32, #tpu.memory_space<vmem>>
    %dma_start3A_50 = arith.constant 0 : i32
    %dma_start3A_51 = arith.constant 0 : i32
    %dma_start3A_52 = tpu.memref_slice %arg4[%arg0, %dma_start3A_50, %dma_start3A_51] : memref<2x10000x64xf32, #tpu.memory_space<hbm>> -> memref<1x10000x64xf32, #tpu.memory_space<hbm>>
    %dma_start3A_53 = tpu.memref_squeeze %dma_start3A_52 : memref<1x10000x64xf32, #tpu.memory_space<hbm>> -> memref<10000x64xf32, #tpu.memory_space<hbm>>
    %dma_start3A_54 = arith.constant 0 : i32
    %dma_start3A_55 = arith.constant 0 : i32
    %dma_start3A_56 = tpu.memref_slice %dma_start3A_53[%dma_start3A_54, %dma_start3A_55] : memref<10000x64xf32, #tpu.memory_space<hbm>> -> memref<10000x64xf32, #tpu.memory_space<hbm>>
    tpu.enqueue_indirect_dma source(%dma_start3A_56 : memref<10000x64xf32, #tpu.memory_space<hbm>>) target(%arg10 : memref<80x64xf32, #tpu.memory_space<vmem>>) offsets(%dma_start3A_49 : memref<80xi32, #tpu.memory_space<vmem>>) semaphore(%arg17 : memref<!tpu.dma_semaphore, #tpu.memory_space<semaphore_mem>>)
    %dma_start3A_57 = arith.constant 3 : i32
    %dma_start3A_58 = arith.constant 0 : i32
    %dma_start3A_59 = tpu.memref_slice %arg6[%dma_start3A_57, %dma_start3A_58] : memref<250x80xi32, #tpu.memory_space<vmem>> -> memref<1x80xi32, #tpu.memory_space<vmem>>
    %dma_start3A_60 = tpu.memref_squeeze %dma_start3A_59 : memref<1x80xi32, #tpu.memory_space<vmem>> -> memref<80xi32, #tpu.memory_space<vmem>>
    %dma_start3A_61 = arith.constant 0 : i32
    %dma_start3A_62 = arith.constant 0 : i32
    %dma_start3A_63 = tpu.memref_slice %arg4[%arg0, %dma_start3A_61, %dma_start3A_62] : memref<2x10000x64xf32, #tpu.memory_space<hbm>> -> memref<1x10000x64xf32, #tpu.memory_space<hbm>>
    %dma_start3A_64 = tpu.memref_squeeze %dma_start3A_63 : memref<1x10000x64xf32, #tpu.memory_space<hbm>> -> memref<10000x64xf32, #tpu.memory_space<hbm>>
    %dma_start3A_65 = arith.constant 0 : i32
    %dma_start3A_66 = arith.constant 0 : i32
    %dma_start3A_67 = tpu.memref_slice %dma_start3A_64[%dma_start3A_65, %dma_start3A_66] : memref<10000x64xf32, #tpu.memory_space<hbm>> -> memref<10000x64xf32, #tpu.memory_space<hbm>>
    tpu.enqueue_indirect_dma source(%dma_start3A_67 : memref<10000x64xf32, #tpu.memory_space<hbm>>) target(%arg11 : memref<80x64xf32, #tpu.memory_space<vmem>>) offsets(%dma_start3A_60 : memref<80xi32, #tpu.memory_space<vmem>>) semaphore(%arg18 : memref<!tpu.dma_semaphore, #tpu.memory_space<semaphore_mem>>)
    %scan3A_68 = arith.constant 0 : i32
    %scan3A_69 = arith.constant 0 : i32
    %scan3A_70 = arith.constant 50 : i32
    %scan3A_71 = arith.addi %scan3A_69, %scan3A_70 : i32
    %scan3A_72 = arith.constant 1 : i32
    %scan3A_73 = scf.for %scan3A_121 = %scan3A_69 to %scan3A_71 step %scan3A_72 iter_args(%scan3A_122 = %scan3A_68) -> (i32)  : i32 {
      %mul3A_123 = arith.constant 5 : i32
      %mul3A_124 = arith.muli %mul3A_123, %scan3A_121 : i32
      %add3A_125 = arith.constant 0 : i32
      %add3A_126 = arith.addi %mul3A_124, %add3A_125 : i32
      %dma_wait3A_127 = arith.constant 0 : i32
      %dma_wait3A_128 = tpu.memref_slice %arg6[%add3A_126, %dma_wait3A_127] : memref<250x80xi32, #tpu.memory_space<vmem>> -> memref<1x80xi32, #tpu.memory_space<vmem>>
      %dma_wait3A_129 = tpu.memref_squeeze %dma_wait3A_128 : memref<1x80xi32, #tpu.memory_space<vmem>> -> memref<80xi32, #tpu.memory_space<vmem>>
      %dma_wait3A_130 = arith.constant 0 : i32
      %dma_wait3A_131 = arith.constant 0 : i32
      %dma_wait3A_132 = tpu.memref_slice %arg4[%arg0, %dma_wait3A_130, %dma_wait3A_131] : memref<2x10000x64xf32, #tpu.memory_space<hbm>> -> memref<1x10000x64xf32, #tpu.memory_space<hbm>>
      %dma_wait3A_133 = tpu.memref_squeeze %dma_wait3A_132 : memref<1x10000x64xf32, #tpu.memory_space<hbm>> -> memref<10000x64xf32, #tpu.memory_space<hbm>>
      %dma_wait3A_134 = arith.constant 0 : i32
      %dma_wait3A_135 = arith.constant 0 : i32
      %dma_wait3A_136 = tpu.memref_slice %dma_wait3A_133[%dma_wait3A_134, %dma_wait3A_135] : memref<10000x64xf32, #tpu.memory_space<hbm>> -> memref<10000x64xf32, #tpu.memory_space<hbm>>
      tpu.wait_indirect_dma semaphore(%arg15 : memref<!tpu.dma_semaphore, #tpu.memory_space<semaphore_mem>>) src(%dma_wait3A_136 : memref<10000x64xf32, #tpu.memory_space<hbm>>) dst(%arg8 : memref<80x64xf32, #tpu.memory_space<vmem>>)
      "tpu.region"() ({
        %run_scoped3A = tpu.sem_alloc : memref<!tpu.dma_semaphore, #tpu.memory_space<semaphore_mem>>
        %dma_start3A_264 = arith.constant 0 : i32
        %dma_start3A_265 = tpu.memref_slice %arg7[%add3A_126, %dma_start3A_264] : memref<250x80xi32, #tpu.memory_space<vmem>> -> memref<1x80xi32, #tpu.memory_space<vmem>>
        %dma_start3A_266 = tpu.memref_squeeze %dma_start3A_265 : memref<1x80xi32, #tpu.memory_space<vmem>> -> memref<80xi32, #tpu.memory_space<vmem>>
        %dma_start3A_267 = arith.constant 0 : i32
        %dma_start3A_268 = arith.constant 0 : i32
        %dma_start3A_269 = tpu.memref_slice %arg14[%dma_start3A_267, %dma_start3A_268] : memref<10000x64xf32, #tpu.memory_space<vmem_shared>> -> memref<10000x64xf32, #tpu.memory_space<vmem_shared>>
        tpu.enqueue_indirect_dma source(%arg8 : memref<80x64xf32, #tpu.memory_space<vmem>>) target(%dma_start3A_269 : memref<10000x64xf32, #tpu.memory_space<vmem_shared>>) offsets(%dma_start3A_266 : memref<80xi32, #tpu.memory_space<vmem>>) semaphore(%run_scoped3A : memref<!tpu.dma_semaphore, #tpu.memory_space<semaphore_mem>>) {add = true}
        %dma_wait3A_270 = arith.constant 0 : i32
        %dma_wait3A_271 = tpu.memref_slice %arg7[%add3A_126, %dma_wait3A_270] : memref<250x80xi32, #tpu.memory_space<vmem>> -> memref<1x80xi32, #tpu.memory_space<vmem>>
        %dma_wait3A_272 = tpu.memref_squeeze %dma_wait3A_271 : memref<1x80xi32, #tpu.memory_space<vmem>> -> memref<80xi32, #tpu.memory_space<vmem>>
        %dma_wait3A_273 = arith.constant 0 : i32
        %dma_wait3A_274 = arith.constant 0 : i32
        %dma_wait3A_275 = tpu.memref_slice %arg14[%dma_wait3A_273, %dma_wait3A_274] : memref<10000x64xf32, #tpu.memory_space<vmem_shared>> -> memref<10000x64xf32, #tpu.memory_space<vmem_shared>>
        tpu.wait_indirect_dma semaphore(%run_scoped3A : memref<!tpu.dma_semaphore, #tpu.memory_space<semaphore_mem>>) src(%arg8 : memref<80x64xf32, #tpu.memory_space<vmem>>) dst(%dma_wait3A_275 : memref<10000x64xf32, #tpu.memory_space<vmem_shared>>)
        tpu.yield
      }) : () -> ()
      %add3A_137 = arith.constant 5 : i32
      %add3A_138 = arith.addi %add3A_126, %add3A_137 : i32
      %sub3A = arith.constant 1 : i32
      %sub3A_139 = arith.subi %add3A_138, %sub3A : i32
      %min3A = arith.constant 249 : i32
      %min3A_140 = arith.minsi %sub3A_139, %min3A : i32
      %dma_start3A_141 = arith.constant 0 : i32
      %dma_start3A_142 = tpu.memref_slice %arg6[%min3A_140, %dma_start3A_141] : memref<250x80xi32, #tpu.memory_space<vmem>> -> memref<1x80xi32, #tpu.memory_space<vmem>>
      %dma_start3A_143 = tpu.memref_squeeze %dma_start3A_142 : memref<1x80xi32, #tpu.memory_space<vmem>> -> memref<80xi32, #tpu.memory_space<vmem>>
      %dma_start3A_144 = arith.constant 0 : i32
      %dma_start3A_145 = arith.constant 0 : i32
      %dma_start3A_146 = tpu.memref_slice %arg4[%arg0, %dma_start3A_144, %dma_start3A_145] : memref<2x10000x64xf32, #tpu.memory_space<hbm>> -> memref<1x10000x64xf32, #tpu.memory_space<hbm>>
      %dma_start3A_147 = tpu.memref_squeeze %dma_start3A_146 : memref<1x10000x64xf32, #tpu.memory_space<hbm>> -> memref<10000x64xf32, #tpu.memory_space<hbm>>
      %dma_start3A_148 = arith.constant 0 : i32
      %dma_start3A_149 = arith.constant 0 : i32
      %dma_start3A_150 = tpu.memref_slice %dma_start3A_147[%dma_start3A_148, %dma_start3A_149] : memref<10000x64xf32, #tpu.memory_space<hbm>> -> memref<10000x64xf32, #tpu.memory_space<hbm>>
      tpu.enqueue_indirect_dma source(%dma_start3A_150 : memref<10000x64xf32, #tpu.memory_space<hbm>>) target(%arg12 : memref<80x64xf32, #tpu.memory_space<vmem>>) offsets(%dma_start3A_143 : memref<80xi32, #tpu.memory_space<vmem>>) semaphore(%arg19 : memref<!tpu.dma_semaphore, #tpu.memory_space<semaphore_mem>>)
      %add3A_151 = arith.constant 1 : i32
      %add3A_152 = arith.addi %mul3A_124, %add3A_151 : i32
      %dma_wait3A_153 = arith.constant 0 : i32
      %dma_wait3A_154 = tpu.memref_slice %arg6[%add3A_152, %dma_wait3A_153] : memref<250x80xi32, #tpu.memory_space<vmem>> -> memref<1x80xi32, #tpu.memory_space<vmem>>
      %dma_wait3A_155 = tpu.memref_squeeze %dma_wait3A_154 : memref<1x80xi32, #tpu.memory_space<vmem>> -> memref<80xi32, #tpu.memory_space<vmem>>
      %dma_wait3A_156 = arith.constant 0 : i32
      %dma_wait3A_157 = arith.constant 0 : i32
      %dma_wait3A_158 = tpu.memref_slice %arg4[%arg0, %dma_wait3A_156, %dma_wait3A_157] : memref<2x10000x64xf32, #tpu.memory_space<hbm>> -> memref<1x10000x64xf32, #tpu.memory_space<hbm>>
      %dma_wait3A_159 = tpu.memref_squeeze %dma_wait3A_158 : memref<1x10000x64xf32, #tpu.memory_space<hbm>> -> memref<10000x64xf32, #tpu.memory_space<hbm>>
      %dma_wait3A_160 = arith.constant 0 : i32
      %dma_wait3A_161 = arith.constant 0 : i32
      %dma_wait3A_162 = tpu.memref_slice %dma_wait3A_159[%dma_wait3A_160, %dma_wait3A_161] : memref<10000x64xf32, #tpu.memory_space<hbm>> -> memref<10000x64xf32, #tpu.memory_space<hbm>>
      tpu.wait_indirect_dma semaphore(%arg16 : memref<!tpu.dma_semaphore, #tpu.memory_space<semaphore_mem>>) src(%dma_wait3A_162 : memref<10000x64xf32, #tpu.memory_space<hbm>>) dst(%arg9 : memref<80x64xf32, #tpu.memory_space<vmem>>)
      "tpu.region"() ({
        %run_scoped3A = tpu.sem_alloc : memref<!tpu.dma_semaphore, #tpu.memory_space<semaphore_mem>>
        %dma_start3A_264 = arith.constant 0 : i32
        %dma_start3A_265 = tpu.memref_slice %arg7[%add3A_152, %dma_start3A_264] : memref<250x80xi32, #tpu.memory_space<vmem>> -> memref<1x80xi32, #tpu.memory_space<vmem>>
        %dma_start3A_266 = tpu.memref_squeeze %dma_start3A_265 : memref<1x80xi32, #tpu.memory_space<vmem>> -> memref<80xi32, #tpu.memory_space<vmem>>
        %dma_start3A_267 = arith.constant 0 : i32
        %dma_start3A_268 = arith.constant 0 : i32
        %dma_start3A_269 = tpu.memref_slice %arg14[%dma_start3A_267, %dma_start3A_268] : memref<10000x64xf32, #tpu.memory_space<vmem_shared>> -> memref<10000x64xf32, #tpu.memory_space<vmem_shared>>
        tpu.enqueue_indirect_dma source(%arg9 : memref<80x64xf32, #tpu.memory_space<vmem>>) target(%dma_start3A_269 : memref<10000x64xf32, #tpu.memory_space<vmem_shared>>) offsets(%dma_start3A_266 : memref<80xi32, #tpu.memory_space<vmem>>) semaphore(%run_scoped3A : memref<!tpu.dma_semaphore, #tpu.memory_space<semaphore_mem>>) {add = true}
        %dma_wait3A_270 = arith.constant 0 : i32
        %dma_wait3A_271 = tpu.memref_slice %arg7[%add3A_152, %dma_wait3A_270] : memref<250x80xi32, #tpu.memory_space<vmem>> -> memref<1x80xi32, #tpu.memory_space<vmem>>
        %dma_wait3A_272 = tpu.memref_squeeze %dma_wait3A_271 : memref<1x80xi32, #tpu.memory_space<vmem>> -> memref<80xi32, #tpu.memory_space<vmem>>
        %dma_wait3A_273 = arith.constant 0 : i32
        %dma_wait3A_274 = arith.constant 0 : i32
        %dma_wait3A_275 = tpu.memref_slice %arg14[%dma_wait3A_273, %dma_wait3A_274] : memref<10000x64xf32, #tpu.memory_space<vmem_shared>> -> memref<10000x64xf32, #tpu.memory_space<vmem_shared>>
        tpu.wait_indirect_dma semaphore(%run_scoped3A : memref<!tpu.dma_semaphore, #tpu.memory_space<semaphore_mem>>) src(%arg9 : memref<80x64xf32, #tpu.memory_space<vmem>>) dst(%dma_wait3A_275 : memref<10000x64xf32, #tpu.memory_space<vmem_shared>>)
        tpu.yield
      }) : () -> ()
      %add3A_163 = arith.constant 5 : i32
      %add3A_164 = arith.addi %add3A_152, %add3A_163 : i32
      %sub3A_165 = arith.constant 1 : i32
      %sub3A_166 = arith.subi %add3A_164, %sub3A_165 : i32
      %min3A_167 = arith.constant 249 : i32
      %min3A_168 = arith.minsi %sub3A_166, %min3A_167 : i32
      %dma_start3A_169 = arith.constant 0 : i32
      %dma_start3A_170 = tpu.memref_slice %arg6[%min3A_168, %dma_start3A_169] : memref<250x80xi32, #tpu.memory_space<vmem>> -> memref<1x80xi32, #tpu.memory_space<vmem>>
      %dma_start3A_171 = tpu.memref_squeeze %dma_start3A_170 : memref<1x80xi32, #tpu.memory_space<vmem>> -> memref<80xi32, #tpu.memory_space<vmem>>
      %dma_start3A_172 = arith.constant 0 : i32
      %dma_start3A_173 = arith.constant 0 : i32
      %dma_start3A_174 = tpu.memref_slice %arg4[%arg0, %dma_start3A_172, %dma_start3A_173] : memref<2x10000x64xf32, #tpu.memory_space<hbm>> -> memref<1x10000x64xf32, #tpu.memory_space<hbm>>
      %dma_start3A_175 = tpu.memref_squeeze %dma_start3A_174 : memref<1x10000x64xf32, #tpu.memory_space<hbm>> -> memref<10000x64xf32, #tpu.memory_space<hbm>>
      %dma_start3A_176 = arith.constant 0 : i32
      %dma_start3A_177 = arith.constant 0 : i32
      %dma_start3A_178 = tpu.memref_slice %dma_start3A_175[%dma_start3A_176, %dma_start3A_177] : memref<10000x64xf32, #tpu.memory_space<hbm>> -> memref<10000x64xf32, #tpu.memory_space<hbm>>
      tpu.enqueue_indirect_dma source(%dma_start3A_178 : memref<10000x64xf32, #tpu.memory_space<hbm>>) target(%arg8 : memref<80x64xf32, #tpu.memory_space<vmem>>) offsets(%dma_start3A_171 : memref<80xi32, #tpu.memory_space<vmem>>) semaphore(%arg15 : memref<!tpu.dma_semaphore, #tpu.memory_space<semaphore_mem>>)
      %add3A_179 = arith.constant 2 : i32
      %add3A_180 = arith.addi %mul3A_124, %add3A_179 : i32
      %dma_wait3A_181 = arith.constant 0 : i32
      %dma_wait3A_182 = tpu.memref_slice %arg6[%add3A_180, %dma_wait3A_181] : memref<250x80xi32, #tpu.memory_space<vmem>> -> memref<1x80xi32, #tpu.memory_space<vmem>>
      %dma_wait3A_183 = tpu.memref_squeeze %dma_wait3A_182 : memref<1x80xi32, #tpu.memory_space<vmem>> -> memref<80xi32, #tpu.memory_space<vmem>>
      %dma_wait3A_184 = arith.constant 0 : i32
      %dma_wait3A_185 = arith.constant 0 : i32
      %dma_wait3A_186 = tpu.memref_slice %arg4[%arg0, %dma_wait3A_184, %dma_wait3A_185] : memref<2x10000x64xf32, #tpu.memory_space<hbm>> -> memref<1x10000x64xf32, #tpu.memory_space<hbm>>
      %dma_wait3A_187 = tpu.memref_squeeze %dma_wait3A_186 : memref<1x10000x64xf32, #tpu.memory_space<hbm>> -> memref<10000x64xf32, #tpu.memory_space<hbm>>
      %dma_wait3A_188 = arith.constant 0 : i32
      %dma_wait3A_189 = arith.constant 0 : i32
      %dma_wait3A_190 = tpu.memref_slice %dma_wait3A_187[%dma_wait3A_188, %dma_wait3A_189] : memref<10000x64xf32, #tpu.memory_space<hbm>> -> memref<10000x64xf32, #tpu.memory_space<hbm>>
      tpu.wait_indirect_dma semaphore(%arg17 : memref<!tpu.dma_semaphore, #tpu.memory_space<semaphore_mem>>) src(%dma_wait3A_190 : memref<10000x64xf32, #tpu.memory_space<hbm>>) dst(%arg10 : memref<80x64xf32, #tpu.memory_space<vmem>>)
      "tpu.region"() ({
        %run_scoped3A = tpu.sem_alloc : memref<!tpu.dma_semaphore, #tpu.memory_space<semaphore_mem>>
        %dma_start3A_264 = arith.constant 0 : i32
        %dma_start3A_265 = tpu.memref_slice %arg7[%add3A_180, %dma_start3A_264] : memref<250x80xi32, #tpu.memory_space<vmem>> -> memref<1x80xi32, #tpu.memory_space<vmem>>
        %dma_start3A_266 = tpu.memref_squeeze %dma_start3A_265 : memref<1x80xi32, #tpu.memory_space<vmem>> -> memref<80xi32, #tpu.memory_space<vmem>>
        %dma_start3A_267 = arith.constant 0 : i32
        %dma_start3A_268 = arith.constant 0 : i32
        %dma_start3A_269 = tpu.memref_slice %arg14[%dma_start3A_267, %dma_start3A_268] : memref<10000x64xf32, #tpu.memory_space<vmem_shared>> -> memref<10000x64xf32, #tpu.memory_space<vmem_shared>>
        tpu.enqueue_indirect_dma source(%arg10 : memref<80x64xf32, #tpu.memory_space<vmem>>) target(%dma_start3A_269 : memref<10000x64xf32, #tpu.memory_space<vmem_shared>>) offsets(%dma_start3A_266 : memref<80xi32, #tpu.memory_space<vmem>>) semaphore(%run_scoped3A : memref<!tpu.dma_semaphore, #tpu.memory_space<semaphore_mem>>) {add = true}
        %dma_wait3A_270 = arith.constant 0 : i32
        %dma_wait3A_271 = tpu.memref_slice %arg7[%add3A_180, %dma_wait3A_270] : memref<250x80xi32, #tpu.memory_space<vmem>> -> memref<1x80xi32, #tpu.memory_space<vmem>>
        %dma_wait3A_272 = tpu.memref_squeeze %dma_wait3A_271 : memref<1x80xi32, #tpu.memory_space<vmem>> -> memref<80xi32, #tpu.memory_space<vmem>>
        %dma_wait3A_273 = arith.constant 0 : i32
        %dma_wait3A_274 = arith.constant 0 : i32
        %dma_wait3A_275 = tpu.memref_slice %arg14[%dma_wait3A_273, %dma_wait3A_274] : memref<10000x64xf32, #tpu.memory_space<vmem_shared>> -> memref<10000x64xf32, #tpu.memory_space<vmem_shared>>
        tpu.wait_indirect_dma semaphore(%run_scoped3A : memref<!tpu.dma_semaphore, #tpu.memory_space<semaphore_mem>>) src(%arg10 : memref<80x64xf32, #tpu.memory_space<vmem>>) dst(%dma_wait3A_275 : memref<10000x64xf32, #tpu.memory_space<vmem_shared>>)
        tpu.yield
      }) : () -> ()
      %add3A_191 = arith.constant 5 : i32
      %add3A_192 = arith.addi %add3A_180, %add3A_191 : i32
      %sub3A_193 = arith.constant 1 : i32
      %sub3A_194 = arith.subi %add3A_192, %sub3A_193 : i32
      %min3A_195 = arith.constant 249 : i32
      %min3A_196 = arith.minsi %sub3A_194, %min3A_195 : i32
      %dma_start3A_197 = arith.constant 0 : i32
      %dma_start3A_198 = tpu.memref_slice %arg6[%min3A_196, %dma_start3A_197] : memref<250x80xi32, #tpu.memory_space<vmem>> -> memref<1x80xi32, #tpu.memory_space<vmem>>
      %dma_start3A_199 = tpu.memref_squeeze %dma_start3A_198 : memref<1x80xi32, #tpu.memory_space<vmem>> -> memref<80xi32, #tpu.memory_space<vmem>>
      %dma_start3A_200 = arith.constant 0 : i32
      %dma_start3A_201 = arith.constant 0 : i32
      %dma_start3A_202 = tpu.memref_slice %arg4[%arg0, %dma_start3A_200, %dma_start3A_201] : memref<2x10000x64xf32, #tpu.memory_space<hbm>> -> memref<1x10000x64xf32, #tpu.memory_space<hbm>>
      %dma_start3A_203 = tpu.memref_squeeze %dma_start3A_202 : memref<1x10000x64xf32, #tpu.memory_space<hbm>> -> memref<10000x64xf32, #tpu.memory_space<hbm>>
      %dma_start3A_204 = arith.constant 0 : i32
      %dma_start3A_205 = arith.constant 0 : i32
      %dma_start3A_206 = tpu.memref_slice %dma_start3A_203[%dma_start3A_204, %dma_start3A_205] : memref<10000x64xf32, #tpu.memory_space<hbm>> -> memref<10000x64xf32, #tpu.memory_space<hbm>>
      tpu.enqueue_indirect_dma source(%dma_start3A_206 : memref<10000x64xf32, #tpu.memory_space<hbm>>) target(%arg9 : memref<80x64xf32, #tpu.memory_space<vmem>>) offsets(%dma_start3A_199 : memref<80xi32, #tpu.memory_space<vmem>>) semaphore(%arg16 : memref<!tpu.dma_semaphore, #tpu.memory_space<semaphore_mem>>)
      %add3A_207 = arith.constant 3 : i32
      %add3A_208 = arith.addi %mul3A_124, %add3A_207 : i32
      %dma_wait3A_209 = arith.constant 0 : i32
      %dma_wait3A_210 = tpu.memref_slice %arg6[%add3A_208, %dma_wait3A_209] : memref<250x80xi32, #tpu.memory_space<vmem>> -> memref<1x80xi32, #tpu.memory_space<vmem>>
      %dma_wait3A_211 = tpu.memref_squeeze %dma_wait3A_210 : memref<1x80xi32, #tpu.memory_space<vmem>> -> memref<80xi32, #tpu.memory_space<vmem>>
      %dma_wait3A_212 = arith.constant 0 : i32
      %dma_wait3A_213 = arith.constant 0 : i32
      %dma_wait3A_214 = tpu.memref_slice %arg4[%arg0, %dma_wait3A_212, %dma_wait3A_213] : memref<2x10000x64xf32, #tpu.memory_space<hbm>> -> memref<1x10000x64xf32, #tpu.memory_space<hbm>>
      %dma_wait3A_215 = tpu.memref_squeeze %dma_wait3A_214 : memref<1x10000x64xf32, #tpu.memory_space<hbm>> -> memref<10000x64xf32, #tpu.memory_space<hbm>>
      %dma_wait3A_216 = arith.constant 0 : i32
      %dma_wait3A_217 = arith.constant 0 : i32
      %dma_wait3A_218 = tpu.memref_slice %dma_wait3A_215[%dma_wait3A_216, %dma_wait3A_217] : memref<10000x64xf32, #tpu.memory_space<hbm>> -> memref<10000x64xf32, #tpu.memory_space<hbm>>
      tpu.wait_indirect_dma semaphore(%arg18 : memref<!tpu.dma_semaphore, #tpu.memory_space<semaphore_mem>>) src(%dma_wait3A_218 : memref<10000x64xf32, #tpu.memory_space<hbm>>) dst(%arg11 : memref<80x64xf32, #tpu.memory_space<vmem>>)
      "tpu.region"() ({
        %run_scoped3A = tpu.sem_alloc : memref<!tpu.dma_semaphore, #tpu.memory_space<semaphore_mem>>
        %dma_start3A_264 = arith.constant 0 : i32
        %dma_start3A_265 = tpu.memref_slice %arg7[%add3A_208, %dma_start3A_264] : memref<250x80xi32, #tpu.memory_space<vmem>> -> memref<1x80xi32, #tpu.memory_space<vmem>>
        %dma_start3A_266 = tpu.memref_squeeze %dma_start3A_265 : memref<1x80xi32, #tpu.memory_space<vmem>> -> memref<80xi32, #tpu.memory_space<vmem>>
        %dma_start3A_267 = arith.constant 0 : i32
        %dma_start3A_268 = arith.constant 0 : i32
        %dma_start3A_269 = tpu.memref_slice %arg14[%dma_start3A_267, %dma_start3A_268] : memref<10000x64xf32, #tpu.memory_space<vmem_shared>> -> memref<10000x64xf32, #tpu.memory_space<vmem_shared>>
        tpu.enqueue_indirect_dma source(%arg11 : memref<80x64xf32, #tpu.memory_space<vmem>>) target(%dma_start3A_269 : memref<10000x64xf32, #tpu.memory_space<vmem_shared>>) offsets(%dma_start3A_266 : memref<80xi32, #tpu.memory_space<vmem>>) semaphore(%run_scoped3A : memref<!tpu.dma_semaphore, #tpu.memory_space<semaphore_mem>>) {add = true}
        %dma_wait3A_270 = arith.constant 0 : i32
        %dma_wait3A_271 = tpu.memref_slice %arg7[%add3A_208, %dma_wait3A_270] : memref<250x80xi32, #tpu.memory_space<vmem>> -> memref<1x80xi32, #tpu.memory_space<vmem>>
        %dma_wait3A_272 = tpu.memref_squeeze %dma_wait3A_271 : memref<1x80xi32, #tpu.memory_space<vmem>> -> memref<80xi32, #tpu.memory_space<vmem>>
        %dma_wait3A_273 = arith.constant 0 : i32
        %dma_wait3A_274 = arith.constant 0 : i32
        %dma_wait3A_275 = tpu.memref_slice %arg14[%dma_wait3A_273, %dma_wait3A_274] : memref<10000x64xf32, #tpu.memory_space<vmem_shared>> -> memref<10000x64xf32, #tpu.memory_space<vmem_shared>>
        tpu.wait_indirect_dma semaphore(%run_scoped3A : memref<!tpu.dma_semaphore, #tpu.memory_space<semaphore_mem>>) src(%arg11 : memref<80x64xf32, #tpu.memory_space<vmem>>) dst(%dma_wait3A_275 : memref<10000x64xf32, #tpu.memory_space<vmem_shared>>)
        tpu.yield
      }) : () -> ()
      %add3A_219 = arith.constant 5 : i32
      %add3A_220 = arith.addi %add3A_208, %add3A_219 : i32
      %sub3A_221 = arith.constant 1 : i32
      %sub3A_222 = arith.subi %add3A_220, %sub3A_221 : i32
      %min3A_223 = arith.constant 249 : i32
      %min3A_224 = arith.minsi %sub3A_222, %min3A_223 : i32
      %dma_start3A_225 = arith.constant 0 : i32
      %dma_start3A_226 = tpu.memref_slice %arg6[%min3A_224, %dma_start3A_225] : memref<250x80xi32, #tpu.memory_space<vmem>> -> memref<1x80xi32, #tpu.memory_space<vmem>>
      %dma_start3A_227 = tpu.memref_squeeze %dma_start3A_226 : memref<1x80xi32, #tpu.memory_space<vmem>> -> memref<80xi32, #tpu.memory_space<vmem>>
      %dma_start3A_228 = arith.constant 0 : i32
      %dma_start3A_229 = arith.constant 0 : i32
      %dma_start3A_230 = tpu.memref_slice %arg4[%arg0, %dma_start3A_228, %dma_start3A_229] : memref<2x10000x64xf32, #tpu.memory_space<hbm>> -> memref<1x10000x64xf32, #tpu.memory_space<hbm>>
      %dma_start3A_231 = tpu.memref_squeeze %dma_start3A_230 : memref<1x10000x64xf32, #tpu.memory_space<hbm>> -> memref<10000x64xf32, #tpu.memory_space<hbm>>
      %dma_start3A_232 = arith.constant 0 : i32
      %dma_start3A_233 = arith.constant 0 : i32
      %dma_start3A_234 = tpu.memref_slice %dma_start3A_231[%dma_start3A_232, %dma_start3A_233] : memref<10000x64xf32, #tpu.memory_space<hbm>> -> memref<10000x64xf32, #tpu.memory_space<hbm>>
      tpu.enqueue_indirect_dma source(%dma_start3A_234 : memref<10000x64xf32, #tpu.memory_space<hbm>>) target(%arg10 : memref<80x64xf32, #tpu.memory_space<vmem>>) offsets(%dma_start3A_227 : memref<80xi32, #tpu.memory_space<vmem>>) semaphore(%arg17 : memref<!tpu.dma_semaphore, #tpu.memory_space<semaphore_mem>>)
      %add3A_235 = arith.constant 4 : i32
      %add3A_236 = arith.addi %mul3A_124, %add3A_235 : i32
      %dma_wait3A_237 = arith.constant 0 : i32
      %dma_wait3A_238 = tpu.memref_slice %arg6[%add3A_236, %dma_wait3A_237] : memref<250x80xi32, #tpu.memory_space<vmem>> -> memref<1x80xi32, #tpu.memory_space<vmem>>
      %dma_wait3A_239 = tpu.memref_squeeze %dma_wait3A_238 : memref<1x80xi32, #tpu.memory_space<vmem>> -> memref<80xi32, #tpu.memory_space<vmem>>
      %dma_wait3A_240 = arith.constant 0 : i32
      %dma_wait3A_241 = arith.constant 0 : i32
      %dma_wait3A_242 = tpu.memref_slice %arg4[%arg0, %dma_wait3A_240, %dma_wait3A_241] : memref<2x10000x64xf32, #tpu.memory_space<hbm>> -> memref<1x10000x64xf32, #tpu.memory_space<hbm>>
      %dma_wait3A_243 = tpu.memref_squeeze %dma_wait3A_242 : memref<1x10000x64xf32, #tpu.memory_space<hbm>> -> memref<10000x64xf32, #tpu.memory_space<hbm>>
      %dma_wait3A_244 = arith.constant 0 : i32
      %dma_wait3A_245 = arith.constant 0 : i32
      %dma_wait3A_246 = tpu.memref_slice %dma_wait3A_243[%dma_wait3A_244, %dma_wait3A_245] : memref<10000x64xf32, #tpu.memory_space<hbm>> -> memref<10000x64xf32, #tpu.memory_space<hbm>>
      tpu.wait_indirect_dma semaphore(%arg19 : memref<!tpu.dma_semaphore, #tpu.memory_space<semaphore_mem>>) src(%dma_wait3A_246 : memref<10000x64xf32, #tpu.memory_space<hbm>>) dst(%arg12 : memref<80x64xf32, #tpu.memory_space<vmem>>)
      "tpu.region"() ({
        %run_scoped3A = tpu.sem_alloc : memref<!tpu.dma_semaphore, #tpu.memory_space<semaphore_mem>>
        %dma_start3A_264 = arith.constant 0 : i32
        %dma_start3A_265 = tpu.memref_slice %arg7[%add3A_236, %dma_start3A_264] : memref<250x80xi32, #tpu.memory_space<vmem>> -> memref<1x80xi32, #tpu.memory_space<vmem>>
        %dma_start3A_266 = tpu.memref_squeeze %dma_start3A_265 : memref<1x80xi32, #tpu.memory_space<vmem>> -> memref<80xi32, #tpu.memory_space<vmem>>
        %dma_start3A_267 = arith.constant 0 : i32
        %dma_start3A_268 = arith.constant 0 : i32
        %dma_start3A_269 = tpu.memref_slice %arg14[%dma_start3A_267, %dma_start3A_268] : memref<10000x64xf32, #tpu.memory_space<vmem_shared>> -> memref<10000x64xf32, #tpu.memory_space<vmem_shared>>
        tpu.enqueue_indirect_dma source(%arg12 : memref<80x64xf32, #tpu.memory_space<vmem>>) target(%dma_start3A_269 : memref<10000x64xf32, #tpu.memory_space<vmem_shared>>) offsets(%dma_start3A_266 : memref<80xi32, #tpu.memory_space<vmem>>) semaphore(%run_scoped3A : memref<!tpu.dma_semaphore, #tpu.memory_space<semaphore_mem>>) {add = true}
        %dma_wait3A_270 = arith.constant 0 : i32
        %dma_wait3A_271 = tpu.memref_slice %arg7[%add3A_236, %dma_wait3A_270] : memref<250x80xi32, #tpu.memory_space<vmem>> -> memref<1x80xi32, #tpu.memory_space<vmem>>
        %dma_wait3A_272 = tpu.memref_squeeze %dma_wait3A_271 : memref<1x80xi32, #tpu.memory_space<vmem>> -> memref<80xi32, #tpu.memory_space<vmem>>
        %dma_wait3A_273 = arith.constant 0 : i32
        %dma_wait3A_274 = arith.constant 0 : i32
        %dma_wait3A_275 = tpu.memref_slice %arg14[%dma_wait3A_273, %dma_wait3A_274] : memref<10000x64xf32, #tpu.memory_space<vmem_shared>> -> memref<10000x64xf32, #tpu.memory_space<vmem_shared>>
        tpu.wait_indirect_dma semaphore(%run_scoped3A : memref<!tpu.dma_semaphore, #tpu.memory_space<semaphore_mem>>) src(%arg12 : memref<80x64xf32, #tpu.memory_space<vmem>>) dst(%dma_wait3A_275 : memref<10000x64xf32, #tpu.memory_space<vmem_shared>>)
        tpu.yield
      }) : () -> ()
      %add3A_247 = arith.constant 5 : i32
      %add3A_248 = arith.addi %add3A_236, %add3A_247 : i32
      %sub3A_249 = arith.constant 1 : i32
      %sub3A_250 = arith.subi %add3A_248, %sub3A_249 : i32
      %min3A_251 = arith.constant 249 : i32
      %min3A_252 = arith.minsi %sub3A_250, %min3A_251 : i32
      %dma_start3A_253 = arith.constant 0 : i32
      %dma_start3A_254 = tpu.memref_slice %arg6[%min3A_252, %dma_start3A_253] : memref<250x80xi32, #tpu.memory_space<vmem>> -> memref<1x80xi32, #tpu.memory_space<vmem>>
      %dma_start3A_255 = tpu.memref_squeeze %dma_start3A_254 : memref<1x80xi32, #tpu.memory_space<vmem>> -> memref<80xi32, #tpu.memory_space<vmem>>
      %dma_start3A_256 = arith.constant 0 : i32
      %dma_start3A_257 = arith.constant 0 : i32
      %dma_start3A_258 = tpu.memref_slice %arg4[%arg0, %dma_start3A_256, %dma_start3A_257] : memref<2x10000x64xf32, #tpu.memory_space<hbm>> -> memref<1x10000x64xf32, #tpu.memory_space<hbm>>
      %dma_start3A_259 = tpu.memref_squeeze %dma_start3A_258 : memref<1x10000x64xf32, #tpu.memory_space<hbm>> -> memref<10000x64xf32, #tpu.memory_space<hbm>>
      %dma_start3A_260 = arith.constant 0 : i32
      %dma_start3A_261 = arith.constant 0 : i32
      %dma_start3A_262 = tpu.memref_slice %dma_start3A_259[%dma_start3A_260, %dma_start3A_261] : memref<10000x64xf32, #tpu.memory_space<hbm>> -> memref<10000x64xf32, #tpu.memory_space<hbm>>
      tpu.enqueue_indirect_dma source(%dma_start3A_262 : memref<10000x64xf32, #tpu.memory_space<hbm>>) target(%arg11 : memref<80x64xf32, #tpu.memory_space<vmem>>) offsets(%dma_start3A_255 : memref<80xi32, #tpu.memory_space<vmem>>) semaphore(%arg18 : memref<!tpu.dma_semaphore, #tpu.memory_space<semaphore_mem>>)
      %scan3A_263 = arith.constant 0 : i32
      scf.yield %scan3A_263 : i32
    }
    %scan3A_74 = arith.constant 50 : i32
    %dma_wait3A = arith.constant 249 : i32
    %dma_wait3A_75 = arith.constant 0 : i32
    %dma_wait3A_76 = tpu.memref_slice %arg6[%dma_wait3A, %dma_wait3A_75] : memref<250x80xi32, #tpu.memory_space<vmem>> -> memref<1x80xi32, #tpu.memory_space<vmem>>
    %dma_wait3A_77 = tpu.memref_squeeze %dma_wait3A_76 : memref<1x80xi32, #tpu.memory_space<vmem>> -> memref<80xi32, #tpu.memory_space<vmem>>
    %dma_wait3A_78 = arith.constant 0 : i32
    %dma_wait3A_79 = arith.constant 0 : i32
    %dma_wait3A_80 = tpu.memref_slice %arg4[%arg0, %dma_wait3A_78, %dma_wait3A_79] : memref<2x10000x64xf32, #tpu.memory_space<hbm>> -> memref<1x10000x64xf32, #tpu.memory_space<hbm>>
    %dma_wait3A_81 = tpu.memref_squeeze %dma_wait3A_80 : memref<1x10000x64xf32, #tpu.memory_space<hbm>> -> memref<10000x64xf32, #tpu.memory_space<hbm>>
    %dma_wait3A_82 = arith.constant 0 : i32
    %dma_wait3A_83 = arith.constant 0 : i32
    %dma_wait3A_84 = tpu.memref_slice %dma_wait3A_81[%dma_wait3A_82, %dma_wait3A_83] : memref<10000x64xf32, #tpu.memory_space<hbm>> -> memref<10000x64xf32, #tpu.memory_space<hbm>>
    tpu.wait_indirect_dma semaphore(%arg15 : memref<!tpu.dma_semaphore, #tpu.memory_space<semaphore_mem>>) src(%dma_wait3A_84 : memref<10000x64xf32, #tpu.memory_space<hbm>>) dst(%arg8 : memref<80x64xf32, #tpu.memory_space<vmem>>)
    %dma_wait3A_85 = arith.constant 249 : i32
    %dma_wait3A_86 = arith.constant 0 : i32
    %dma_wait3A_87 = tpu.memref_slice %arg6[%dma_wait3A_85, %dma_wait3A_86] : memref<250x80xi32, #tpu.memory_space<vmem>> -> memref<1x80xi32, #tpu.memory_space<vmem>>
    %dma_wait3A_88 = tpu.memref_squeeze %dma_wait3A_87 : memref<1x80xi32, #tpu.memory_space<vmem>> -> memref<80xi32, #tpu.memory_space<vmem>>
    %dma_wait3A_89 = arith.constant 0 : i32
    %dma_wait3A_90 = arith.constant 0 : i32
    %dma_wait3A_91 = tpu.memref_slice %arg4[%arg0, %dma_wait3A_89, %dma_wait3A_90] : memref<2x10000x64xf32, #tpu.memory_space<hbm>> -> memref<1x10000x64xf32, #tpu.memory_space<hbm>>
    %dma_wait3A_92 = tpu.memref_squeeze %dma_wait3A_91 : memref<1x10000x64xf32, #tpu.memory_space<hbm>> -> memref<10000x64xf32, #tpu.memory_space<hbm>>
    %dma_wait3A_93 = arith.constant 0 : i32
    %dma_wait3A_94 = arith.constant 0 : i32
    %dma_wait3A_95 = tpu.memref_slice %dma_wait3A_92[%dma_wait3A_93, %dma_wait3A_94] : memref<10000x64xf32, #tpu.memory_space<hbm>> -> memref<10000x64xf32, #tpu.memory_space<hbm>>
    tpu.wait_indirect_dma semaphore(%arg16 : memref<!tpu.dma_semaphore, #tpu.memory_space<semaphore_mem>>) src(%dma_wait3A_95 : memref<10000x64xf32, #tpu.memory_space<hbm>>) dst(%arg9 : memref<80x64xf32, #tpu.memory_space<vmem>>)
    %dma_wait3A_96 = arith.constant 249 : i32
    %dma_wait3A_97 = arith.constant 0 : i32
    %dma_wait3A_98 = tpu.memref_slice %arg6[%dma_wait3A_96, %dma_wait3A_97] : memref<250x80xi32, #tpu.memory_space<vmem>> -> memref<1x80xi32, #tpu.memory_space<vmem>>
    %dma_wait3A_99 = tpu.memref_squeeze %dma_wait3A_98 : memref<1x80xi32, #tpu.memory_space<vmem>> -> memref<80xi32, #tpu.memory_space<vmem>>
    %dma_wait3A_100 = arith.constant 0 : i32
    %dma_wait3A_101 = arith.constant 0 : i32
    %dma_wait3A_102 = tpu.memref_slice %arg4[%arg0, %dma_wait3A_100, %dma_wait3A_101] : memref<2x10000x64xf32, #tpu.memory_space<hbm>> -> memref<1x10000x64xf32, #tpu.memory_space<hbm>>
    %dma_wait3A_103 = tpu.memref_squeeze %dma_wait3A_102 : memref<1x10000x64xf32, #tpu.memory_space<hbm>> -> memref<10000x64xf32, #tpu.memory_space<hbm>>
    %dma_wait3A_104 = arith.constant 0 : i32
    %dma_wait3A_105 = arith.constant 0 : i32
    %dma_wait3A_106 = tpu.memref_slice %dma_wait3A_103[%dma_wait3A_104, %dma_wait3A_105] : memref<10000x64xf32, #tpu.memory_space<hbm>> -> memref<10000x64xf32, #tpu.memory_space<hbm>>
    tpu.wait_indirect_dma semaphore(%arg17 : memref<!tpu.dma_semaphore, #tpu.memory_space<semaphore_mem>>) src(%dma_wait3A_106 : memref<10000x64xf32, #tpu.memory_space<hbm>>) dst(%arg10 : memref<80x64xf32, #tpu.memory_space<vmem>>)
    %dma_wait3A_107 = arith.constant 249 : i32
    %dma_wait3A_108 = arith.constant 0 : i32
    %dma_wait3A_109 = tpu.memref_slice %arg6[%dma_wait3A_107, %dma_wait3A_108] : memref<250x80xi32, #tpu.memory_space<vmem>> -> memref<1x80xi32, #tpu.memory_space<vmem>>
    %dma_wait3A_110 = tpu.memref_squeeze %dma_wait3A_109 : memref<1x80xi32, #tpu.memory_space<vmem>> -> memref<80xi32, #tpu.memory_space<vmem>>
    %dma_wait3A_111 = arith.constant 0 : i32
    %dma_wait3A_112 = arith.constant 0 : i32
    %dma_wait3A_113 = tpu.memref_slice %arg4[%arg0, %dma_wait3A_111, %dma_wait3A_112] : memref<2x10000x64xf32, #tpu.memory_space<hbm>> -> memref<1x10000x64xf32, #tpu.memory_space<hbm>>
    %dma_wait3A_114 = tpu.memref_squeeze %dma_wait3A_113 : memref<1x10000x64xf32, #tpu.memory_space<hbm>> -> memref<10000x64xf32, #tpu.memory_space<hbm>>
    %dma_wait3A_115 = arith.constant 0 : i32
    %dma_wait3A_116 = arith.constant 0 : i32
    %dma_wait3A_117 = tpu.memref_slice %dma_wait3A_114[%dma_wait3A_115, %dma_wait3A_116] : memref<10000x64xf32, #tpu.memory_space<hbm>> -> memref<10000x64xf32, #tpu.memory_space<hbm>>
    tpu.wait_indirect_dma semaphore(%arg18 : memref<!tpu.dma_semaphore, #tpu.memory_space<semaphore_mem>>) src(%dma_wait3A_117 : memref<10000x64xf32, #tpu.memory_space<hbm>>) dst(%arg11 : memref<80x64xf32, #tpu.memory_space<vmem>>)
    %barrier3A_118 = arith.constant 0 : index
    tpu.barrier barrier_id(%barrier3A_118)
    %mul3A_119 = arith.constant 625 : i32
    %mul3A_120 = arith.muli %arg1, %mul3A_119 : i32
    "tpu.region"() ({
      %run_scoped3A = tpu.sem_alloc : memref<!tpu.dma_semaphore, #tpu.memory_space<semaphore_mem>>
      %dma_start3A_121 = arith.constant 0 : i32
      %dma_start3A_122 = arith.constant 0 : i32
      %dma_start3A_123 = tpu.memref_slice %arg5[%arg0, %arg1, %dma_start3A_121, %dma_start3A_122] : memref<2x16x625x64xf32, #tpu.memory_space<hbm>> -> memref<1x1x625x64xf32, #tpu.memory_space<hbm>>
      %dma_start3A_124 = tpu.memref_squeeze %dma_start3A_123 : memref<1x1x625x64xf32, #tpu.memory_space<hbm>> -> memref<625x64xf32, #tpu.memory_space<hbm>>
      %dma_start3A_125 = arith.constant 0 : i32
      %dma_start3A_126 = tpu.memref_slice %arg14[%mul3A_120, %dma_start3A_125] : memref<10000x64xf32, #tpu.memory_space<vmem_shared>> -> memref<625x64xf32, #tpu.memory_space<vmem_shared>>
      tpu.enqueue_dma source(%dma_start3A_126 : memref<625x64xf32, #tpu.memory_space<vmem_shared>>) target(%dma_start3A_124 : memref<625x64xf32, #tpu.memory_space<hbm>>) target_semaphore(%run_scoped3A : memref<!tpu.dma_semaphore, #tpu.memory_space<semaphore_mem>>)
      %dma_wait3A_127 = arith.constant 0 : i32
      %dma_wait3A_128 = arith.constant 0 : i32
      %dma_wait3A_129 = tpu.memref_slice %arg5[%arg0, %arg1, %dma_wait3A_127, %dma_wait3A_128] : memref<2x16x625x64xf32, #tpu.memory_space<hbm>> -> memref<1x1x625x64xf32, #tpu.memory_space<hbm>>
      %dma_wait3A_130 = tpu.memref_squeeze %dma_wait3A_129 : memref<1x1x625x64xf32, #tpu.memory_space<hbm>> -> memref<625x64xf32, #tpu.memory_space<hbm>>
      %dma_wait3A_131 = arith.constant 0 : i32
      %dma_wait3A_132 = tpu.memref_slice %arg14[%mul3A_120, %dma_wait3A_131] : memref<10000x64xf32, #tpu.memory_space<vmem_shared>> -> memref<625x64xf32, #tpu.memory_space<vmem_shared>>
      tpu.wait_dma2 semaphore(%run_scoped3A : memref<!tpu.dma_semaphore, #tpu.memory_space<semaphore_mem>>) src(%dma_wait3A_132 : memref<625x64xf32, #tpu.memory_space<vmem_shared>>) dst(%dma_wait3A_130 : memref<625x64xf32, #tpu.memory_space<hbm>>)
      tpu.yield
    }) : () -> ()
    return
  }
}

module attributes {stable_mosaic.version = 14 : i64} {
  func.func @_mm_body(%arg0: i32, %arg1: memref<2x400x16xf32, #tpu.memory_space<vmem>>, %arg2: memref<400x128xf32, #tpu.memory_space<vmem>>, %arg3: memref<128x128xf32, #tpu.memory_space<vmem>>, %arg4: memref<2x400x64xf32, #tpu.memory_space<vmem>>) attributes {dimension_semantics = [#tpu.dimension_semantics<arbitrary>], iteration_bounds = array<i64: 25>, scalar_prefetch = 0 : i64, scratch_operands = 0 : i64, tpu.core_type = #tpu.core_type<tc>, window_params = [{transform_indices = @transform_0, window_bounds = array<i64: 2, 400, 16>}, {transform_indices = @transform_1, window_bounds = array<i64: 400, 128>}, {pipeline_mode = #tpu.pipeline_mode<synchronous>, transform_indices = @transform_2, window_bounds = array<i64: 128, 128>}, {transform_indices = @transform_3, window_bounds = array<i64: 2, 400, 64>}]} {
    %get3A = arith.constant 0 : index
    %get3A_0 = arith.constant 0 : index
    %get3A_1 = arith.constant 0 : index
    %get3A_2 = vector.load %arg1[%get3A, %get3A_0, %get3A_1] : memref<2x400x16xf32, #tpu.memory_space<vmem>>, vector<1x400x16xf32>
    %get3A_3 = vector.shape_cast %get3A_2 : vector<1x400x16xf32> to vector<400x16xf32>
    %get3A_4 = arith.constant 1 : index
    %get3A_5 = arith.constant 0 : index
    %get3A_6 = arith.constant 0 : index
    %get3A_7 = vector.load %arg1[%get3A_4, %get3A_5, %get3A_6] : memref<2x400x16xf32, #tpu.memory_space<vmem>>, vector<1x400x16xf32>
    %get3A_8 = vector.shape_cast %get3A_7 : vector<1x400x16xf32> to vector<400x16xf32>
    %add3A = arith.addf %get3A_3, %get3A_8 : vector<400x16xf32>
    %add3A_9 = arith.constant 1.000000e+00 : f32
    %add3A_10 = vector.broadcast %add3A_9 : f32 to vector<400x16xf32>
    %add3A_11 = arith.addf %add3A, %add3A_10 : vector<400x16xf32>
    %rsqrt3A = math.rsqrt %add3A_11 : vector<400x16xf32>
    %slice3A = vector.extract_strided_slice %rsqrt3A {offsets = [0, 0], sizes = [400, 1], strides = [1, 1]} : vector<400x16xf32> to vector<400x1xf32>
    %get3A_12 = arith.constant 0 : index
    %get3A_13 = arith.constant 0 : index
    %get3A_14 = vector.load %arg2[%get3A_12, %get3A_13] : memref<400x128xf32, #tpu.memory_space<vmem>>, vector<400x128xf32>
    %get3A_15 = arith.constant 0 : index
    %get3A_16 = arith.constant 0 : index
    %get3A_17 = vector.load %arg3[%get3A_15, %get3A_16] : memref<128x128xf32, #tpu.memory_space<vmem>>, vector<128x128xf32>
    %dot_general3A = arith.constant dense<0.000000e+00> : vector<400x128xf32>
    %dot_general3A_18 = tpu.matmul %get3A_14, %get3A_17, %dot_general3A {dimension_numbers = #tpu.dot_dimension_numbers<[1], [0], [0], [1], [0, 0, 1, 1], [], []>, transpose_lhs_hint = false} : vector<400x128xf32>, vector<128x128xf32>, vector<400x128xf32> -> vector<400x128xf32>
    %mul3A = vector.broadcast %slice3A : vector<400x1xf32> to vector<400x128xf32>
    %mul3A_19 = arith.mulf %dot_general3A_18, %mul3A : vector<400x128xf32>
    %slice3A_20 = vector.extract_strided_slice %mul3A_19 {offsets = [0, 0], sizes = [400, 64], strides = [1, 1]} : vector<400x128xf32> to vector<400x64xf32>
    %swap3A = arith.constant 0 : index
    %swap3A_21 = arith.constant 0 : index
    %swap3A_22 = arith.constant 0 : index
    %swap3A_23 = vector.load %arg4[%swap3A, %swap3A_21, %swap3A_22] : memref<2x400x64xf32, #tpu.memory_space<vmem>>, vector<1x400x64xf32>
    %swap3A_24 = vector.shape_cast %swap3A_23 : vector<1x400x64xf32> to vector<400x64xf32>
    %swap3A_25 = vector.shape_cast %slice3A_20 : vector<400x64xf32> to vector<1x400x64xf32>
    tpu.vector_store %arg4[%swap3A, %swap3A_21, %swap3A_22], %swap3A_25 {strides = array<i32>} : memref<2x400x64xf32, #tpu.memory_space<vmem>>, vector<1x400x64xf32>,
    %slice3A_26 = vector.extract_strided_slice %mul3A_19 {offsets = [0, 64], sizes = [400, 64], strides = [1, 1]} : vector<400x128xf32> to vector<400x64xf32>
    %swap3A_27 = arith.constant 1 : index
    %swap3A_28 = arith.constant 0 : index
    %swap3A_29 = arith.constant 0 : index
    %swap3A_30 = vector.load %arg4[%swap3A_27, %swap3A_28, %swap3A_29] : memref<2x400x64xf32, #tpu.memory_space<vmem>>, vector<1x400x64xf32>
    %swap3A_31 = vector.shape_cast %swap3A_30 : vector<1x400x64xf32> to vector<400x64xf32>
    %swap3A_32 = vector.shape_cast %slice3A_26 : vector<400x64xf32> to vector<1x400x64xf32>
    tpu.vector_store %arg4[%swap3A_27, %swap3A_28, %swap3A_29], %swap3A_32 {strides = array<i32>} : memref<2x400x64xf32, #tpu.memory_space<vmem>>, vector<1x400x64xf32>,
    return
  }
  func.func @transform_0(%arg0: i32) -> (i32, i32, i32) {
    %c0_i32 = arith.constant 0 : i32
    %c0_i32_0 = arith.constant 0 : i32
    %c0_i32_1 = arith.constant 0 : i32
    return %c0_i32, %arg0, %c0_i32_0 : i32, i32, i32
  }
  func.func @transform_1(%arg0: i32) -> (i32, i32) {
    %c0_i32 = arith.constant 0 : i32
    %c0_i32_0 = arith.constant 0 : i32
    return %arg0, %c0_i32 : i32, i32
  }
  func.func @transform_2(%arg0: i32) -> (i32, i32) {
    %c0_i32 = arith.constant 0 : i32
    %c0_i32_0 = arith.constant 0 : i32
    %c0_i32_1 = arith.constant 0 : i32
    return %c0_i32, %c0_i32_0 : i32, i32
  }
  func.func @transform_3(%arg0: i32) -> (i32, i32, i32) {
    %c0_i32 = arith.constant 0 : i32
    %c0_i32_0 = arith.constant 0 : i32
    %c0_i32_1 = arith.constant 0 : i32
    return %c0_i32, %arg0, %c0_i32_0 : i32, i32, i32
  }
}

module attributes {stable_mosaic.version = 14 : i64} {
  func.func @_ep_body(%arg0: i32, %arg1: memref<2x400x64xf32, #tpu.memory_space<vmem>>, %arg2: memref<2x400x64xf32, #tpu.memory_space<vmem>>, %arg3: memref<2x400x16xf32, #tpu.memory_space<vmem>>, %arg4: memref<1x128xf32, #tpu.memory_space<vmem>>, %arg5: memref<400x128xf32, #tpu.memory_space<vmem>>) attributes {dimension_semantics = [#tpu.dimension_semantics<arbitrary>], iteration_bounds = array<i64: 25>, scalar_prefetch = 0 : i64, scratch_operands = 0 : i64, tpu.core_type = #tpu.core_type<tc>, window_params = [{transform_indices = @transform_0, window_bounds = array<i64: 2, 400, 64>}, {transform_indices = @transform_1, window_bounds = array<i64: 2, 400, 64>}, {transform_indices = @transform_2, window_bounds = array<i64: 2, 400, 16>}, {pipeline_mode = #tpu.pipeline_mode<synchronous>, transform_indices = @transform_3, window_bounds = array<i64: 1, 128>}, {transform_indices = @transform_4, window_bounds = array<i64: 400, 128>}]} {
    %get3A = arith.constant 0 : index
    %get3A_0 = arith.constant 0 : index
    %get3A_1 = arith.constant 0 : index
    %get3A_2 = vector.load %arg3[%get3A, %get3A_0, %get3A_1] : memref<2x400x16xf32, #tpu.memory_space<vmem>>, vector<1x400x16xf32>
    %get3A_3 = vector.shape_cast %get3A_2 : vector<1x400x16xf32> to vector<400x16xf32>
    %get3A_4 = arith.constant 1 : index
    %get3A_5 = arith.constant 0 : index
    %get3A_6 = arith.constant 0 : index
    %get3A_7 = vector.load %arg3[%get3A_4, %get3A_5, %get3A_6] : memref<2x400x16xf32, #tpu.memory_space<vmem>>, vector<1x400x16xf32>
    %get3A_8 = vector.shape_cast %get3A_7 : vector<1x400x16xf32> to vector<400x16xf32>
    %add3A = arith.addf %get3A_3, %get3A_8 : vector<400x16xf32>
    %add3A_9 = arith.constant 1.000000e+00 : f32
    %add3A_10 = vector.broadcast %add3A_9 : f32 to vector<400x16xf32>
    %add3A_11 = arith.addf %add3A, %add3A_10 : vector<400x16xf32>
    %rsqrt3A = math.rsqrt %add3A_11 : vector<400x16xf32>
    %slice3A = vector.extract_strided_slice %rsqrt3A {offsets = [0, 0], sizes = [400, 1], strides = [1, 1]} : vector<400x16xf32> to vector<400x1xf32>
    %get3A_12 = arith.constant 0 : index
    %get3A_13 = arith.constant 0 : index
    %get3A_14 = arith.constant 0 : index
    %get3A_15 = vector.load %arg1[%get3A_12, %get3A_13, %get3A_14] : memref<2x400x64xf32, #tpu.memory_space<vmem>>, vector<1x400x64xf32>
    %get3A_16 = vector.shape_cast %get3A_15 : vector<1x400x64xf32> to vector<400x64xf32>
    %get3A_17 = arith.constant 0 : index
    %get3A_18 = arith.constant 0 : index
    %get3A_19 = arith.constant 0 : index
    %get3A_20 = vector.load %arg2[%get3A_17, %get3A_18, %get3A_19] : memref<2x400x64xf32, #tpu.memory_space<vmem>>, vector<1x400x64xf32>
    %get3A_21 = vector.shape_cast %get3A_20 : vector<1x400x64xf32> to vector<400x64xf32>
    %add3A_22 = arith.addf %get3A_16, %get3A_21 : vector<400x64xf32>
    %mul3A = vector.broadcast %slice3A : vector<400x1xf32> to vector<400x64xf32>
    %mul3A_23 = arith.mulf %add3A_22, %mul3A : vector<400x64xf32>
    %get3A_24 = arith.constant 1 : index
    %get3A_25 = arith.constant 0 : index
    %get3A_26 = arith.constant 0 : index
    %get3A_27 = vector.load %arg1[%get3A_24, %get3A_25, %get3A_26] : memref<2x400x64xf32, #tpu.memory_space<vmem>>, vector<1x400x64xf32>
    %get3A_28 = vector.shape_cast %get3A_27 : vector<1x400x64xf32> to vector<400x64xf32>
    %get3A_29 = arith.constant 1 : index
    %get3A_30 = arith.constant 0 : index
    %get3A_31 = arith.constant 0 : index
    %get3A_32 = vector.load %arg2[%get3A_29, %get3A_30, %get3A_31] : memref<2x400x64xf32, #tpu.memory_space<vmem>>, vector<1x400x64xf32>
    %get3A_33 = vector.shape_cast %get3A_32 : vector<1x400x64xf32> to vector<400x64xf32>
    %add3A_34 = arith.addf %get3A_28, %get3A_33 : vector<400x64xf32>
    %mul3A_35 = vector.broadcast %slice3A : vector<400x1xf32> to vector<400x64xf32>
    %mul3A_36 = arith.mulf %add3A_34, %mul3A_35 : vector<400x64xf32>
    %concatenate3A = tpu.concatenate %mul3A_23, %mul3A_36 in 1 : vector<400x64xf32>, vector<400x64xf32> -> vector<400x128xf32>
    %get3A_37 = arith.constant 0 : index
    %get3A_38 = arith.constant 0 : index
    %get3A_39 = vector.load %arg4[%get3A_37, %get3A_38] : memref<1x128xf32, #tpu.memory_space<vmem>>, vector<1x128xf32>
    %add3A_40 = vector.broadcast %get3A_39 : vector<1x128xf32> to vector<400x128xf32>
    %add3A_41 = arith.addf %concatenate3A, %add3A_40 : vector<400x128xf32>
    %swap3A = arith.constant 0 : index
    %swap3A_42 = arith.constant 0 : index
    %swap3A_43 = vector.load %arg5[%swap3A, %swap3A_42] : memref<400x128xf32, #tpu.memory_space<vmem>>, vector<400x128xf32>
    tpu.vector_store %arg5[%swap3A, %swap3A_42], %add3A_41 {strides = array<i32>} : memref<400x128xf32, #tpu.memory_space<vmem>>, vector<400x128xf32>,
    return
  }
  func.func @transform_0(%arg0: i32) -> (i32, i32, i32) {
    %c0_i32 = arith.constant 0 : i32
    %c0_i32_0 = arith.constant 0 : i32
    %c0_i32_1 = arith.constant 0 : i32
    return %c0_i32, %arg0, %c0_i32_0 : i32, i32, i32
  }
  func.func @transform_1(%arg0: i32) -> (i32, i32, i32) {
    %c0_i32 = arith.constant 0 : i32
    %c0_i32_0 = arith.constant 0 : i32
    %c0_i32_1 = arith.constant 0 : i32
    return %c0_i32, %arg0, %c0_i32_0 : i32, i32, i32
  }
  func.func @transform_2(%arg0: i32) -> (i32, i32, i32) {
    %c0_i32 = arith.constant 0 : i32
    %c0_i32_0 = arith.constant 0 : i32
    %c0_i32_1 = arith.constant 0 : i32
    return %c0_i32, %arg0, %c0_i32_0 : i32, i32, i32
  }
  func.func @transform_3(%arg0: i32) -> (i32, i32) {
    %c0_i32 = arith.constant 0 : i32
    %c0_i32_0 = arith.constant 0 : i32
    %c0_i32_1 = arith.constant 0 : i32
    return %c0_i32, %c0_i32_0 : i32, i32
  }
  func.func @transform_4(%arg0: i32) -> (i32, i32) {
    %c0_i32 = arith.constant 0 : i32
    %c0_i32_0 = arith.constant 0 : i32
    return %arg0, %c0_i32 : i32, i32
  }
}

</mosaic_0001>

<sc_bundles>
// kernel: kernel.6.cloned.1.call-start
scs
__scs_entry_jumppad:
0x0: {  	(pc) =	sbr.rel $0x88, $3  }
0x1: {  	(tag) =	ssettag $0x0;
	lr =	simm.s32 $0x1  }
0x2: {  	[smem:$0x3F9D] =	sst lr;
	_ =	strace $0xD0000000  }
0x3: {  	_ = 	snop  }
0x4: {  	_ = 	snop  }
0x5: {  	_ = 	snop  }
0x6: {  	_ = 	snop  }
0x7: {  	_ = 	snop  }
__scs_overlays_trampoline_lowered:
0x8: {  	[smem:$0x3FAC] =	sst s0  }
0x9: {  	[smem:$0x3FAD] =	sst s1  }
0xa: {  	[smem:$0x3FAE] =	sst s2  }
0xb: {  	[smem:$0x3FAF] =	sst s3  }
0xc: {  	[smem:$0x3FB0] =	sst s4  }
0xd: {  	[smem:$0x3FB1] =	sst s5  }
0xe: {  	[smem:$0x3FB2] =	sst s6  }
0xf: {  	[smem:$0x3FB3] =	sst s7  }
0x10: {  	[smem:$0x3FB4] =	sst s8  }
0x11: {  	[smem:$0x3FB5] =	sst s9;
	s0 =	simm.s32 @!p0 $0x0  }
0x12: {  	s1 =	sld [smem:$0x3F9B];
	s0 =	simm.s32 @p0 $0x1  }
0x13: {  	[smem:$0x3FB6] =	sst s0;
	s0 =	simm.s32 @!p1 $0x0  }
0x14: {  	s2 =	sld [smem:$0x3F9A];
	s0 =	simm.s32 @p1 $0x1  }
0x15: {  	[smem:$0x3FB7] =	sst s0;
	s0 =	simm.s32 @!p2 $0x0  }
0x16: {  	s3 =	sld [smem:$0x3FDB];
	s0 =	simm.s32 @p2 $0x1  }
0x17: {  	s4 =	simm.s32 $0x1BF5;
	[smem:$0x3FB9] =	sst s0  }
0x18: {  	s0 =	sld [smem:$0x3F9C];
	_ =	swait.ge [sflag:s4], $0x0  }
0x19: {  	s7 =	sld [smem:$0x3F9D]  }
0x1a: {  	s8 =	sadd.s32 $0xFFFFE003, lr  }
0x1b: {  	s9 =	sadd.s32 $0xFFFFFEF7, lr;
	s5 =	simm.s32 $0xFFFFFFFF;
	p2 =	slt.u32 s8, $0xFFFFF086  }
0x1c: {  	p1 =	slt.u32 s9, $0xF7A;
	s5 =	simm.s32 @!p2 $0x0  }
0x1d: {  	s5 =	simm.s32 @p1 $0x1;
	p0 =	seq.s32 s7, s2  }
0x1e: {  	s7 =	smul.u32 @!p0 $0xF7A, s2;
	p2 =	seq.s32 @!p0 s5, $0x0  }
0x1f: {  	s9 =	smul.u32 $0xF7A, s1;
	s8 =	simm.s32 @!p0 $0x1BF5;
	p2 =	por !p2, p0  }
0x20: {  	[sflag:s8] =	ssyncset.s32 @!p0 $0xFFFFF086;
	s6 =	sadd.s32 @!p0 s3, s7;
	s7 =	simm.s32 @!p0 $0x108  }
0x21: {  	s3 =	sadd.s32 s3, s9;
	s6 =	sadd.s32 @!p0 $0x88, s6;
	s7 =	simm.s32 @p2 $0x1082  }
0x22: {  	[simem:s7], [sflag:s8] =	dma.local @!p0 [hbm:s6], $0xF7A  }
0x23: {  	s9 =	sor.u32 $0xD0000000, s2;
	s6 =	simm.s32 $0x108;
	_ =	swait.ge @!p0 [sflag:s8], $0x0  }
0x24: {  	s3 =	sadd.s32 $0x88, s3;
	s6 =	simm.s32 @!p1 $0x1082;
	[sflag:s4] =	ssyncset.s32 $0xFFFFF086  }
0x25: {  	[simem:s6], [sflag:s4] =	dma.local [hbm:s3], $0xF7A  }
0x26: {  	[smem:$0x3F9D] =	sst s1;
	(tag) =	ssettag s2;
	_ =	strace s9  }
0x27: {  	s1 =	sld [smem:$0x3FAD]  }
0x28: {  	s2 =	sld [smem:$0x3FAE]  }
0x29: {  	s4 =	sld [smem:$0x3FB0]  }
0x2a: {  	p0 =	seq.s32 s5, $0x0;
	s5 =	sld [smem:$0x3FB1]  }
0x2b: {  	s6 =	sld [smem:$0x3FB2]  }
0x2c: {  	s7 =	sld [smem:$0x3FB3]  }
0x2d: {  	s3 =	simm.s32 $0x108;
	s8 =	sld [smem:$0x3FB4]  }
0x2e: {  	s3 =	simm.s32 @!p0 $0x1082;
	s9 =	sld [smem:$0x3FB5]  }
0x2f: {  	lr =	sadd.s32 s0, s3;
	s0 =	sld [smem:$0x3FAC]  }
0x30: {  	s3 =	sld [smem:$0x3FAF]  }
0x31: {  	[smem:$0x3FB8] =	sst s10  }
0x32: {  	s10 =	sld [smem:$0x3FB6];
	_ =	sdelay $0x3  }
0x33: {  	p0 =	seq.s32 s10, $0x1;
	s10 =	sld [smem:$0x3FB8];
	_ =	sdelay $0x3  }
0x34: {  	[smem:$0x3FB8] =	sst s10  }
0x35: {  	s10 =	sld [smem:$0x3FB7];
	_ =	sdelay $0x3  }
0x36: {  	p1 =	seq.s32 s10, $0x1;
	s10 =	sld [smem:$0x3FB8];
	_ =	sdelay $0x3  }
0x37: {  	[smem:$0x3FB8] =	sst s10  }
0x38: {  	s10 =	sld [smem:$0x3FB9]  }
0x39: {  	_ = 	snop;
	(pc) =	sbr.ind lr, $3  }
0x3a: {  	_ = 	snop  }
0x3b: {  	_ = 	snop  }
0x3c: {  	p2 =	seq.s32 s10, $0x1;
	s10 =	sld [smem:$0x3FB8]  }
0x3d: {  	_ =	shalt  }
0x3e: {  	_ =	shalt  }
0x3f: {  	_ =	shalt  }
0x40: {  	_ =	shalt  }
0x41: {  	_ =	shalt  }
0x42: {  	_ =	shalt  }
0x43: {  	_ =	shalt  }
0x44: {  	_ =	shalt  }
0x45: {  	_ =	shalt  }
0x46: {  	_ =	shalt  }
0x47: {  	_ =	shalt  }
0x48: {  	_ =	shalt  }
0x49: {  	_ =	shalt  }
0x4a: {  	_ =	shalt  }
0x4b: {  	_ =	shalt  }
0x4c: {  	_ =	shalt  }
0x4d: {  	_ =	shalt  }
0x4e: {  	_ =	shalt  }
0x4f: {  	_ =	shalt  }
0x50: {  	_ =	shalt  }
0x51: {  	_ =	shalt  }
0x52: {  	_ =	shalt  }
0x53: {  	_ =	shalt  }
0x54: {  	_ =	shalt  }
0x55: {  	_ =	shalt  }
0x56: {  	_ =	shalt  }
0x57: {  	_ =	shalt  }
0x58: {  	_ =	shalt  }
0x59: {  	_ =	shalt  }
0x5a: {  	_ =	shalt  }
0x5b: {  	_ =	shalt  }
0x5c: {  	_ =	shalt  }
0x5d: {  	_ =	shalt  }
0x5e: {  	_ =	shalt  }
0x5f: {  	_ =	shalt  }
0x60: {  	_ =	shalt  }
0x61: {  	_ =	shalt  }
0x62: {  	_ =	shalt  }
0x63: {  	_ =	shalt  }
0x64: {  	_ =	shalt  }
0x65: {  	_ =	shalt  }
0x66: {  	_ =	shalt  }
0x67: {  	_ =	shalt  }
0x68: {  	_ =	shalt  }
0x69: {  	_ =	shalt  }
0x6a: {  	_ =	shalt  }
0x6b: {  	_ =	shalt  }
0x6c: {  	_ =	shalt  }
0x6d: {  	_ =	shalt  }
0x6e: {  	_ =	shalt  }
0x6f: {  	_ =	shalt  }
0x70: {  	_ =	shalt  }
0x71: {  	_ =	shalt  }
0x72: {  	_ =	shalt  }
0x73: {  	_ =	shalt  }
0x74: {  	_ =	shalt  }
0x75: {  	_ =	shalt  }
0x76: {  	_ =	shalt  }
0x77: {  	_ =	shalt  }
0x78: {  	_ =	shalt  }
0x79: {  	_ =	shalt  }
0x7a: {  	_ =	shalt  }
0x7b: {  	_ =	shalt  }
0x7c: {  	_ =	shalt  }
0x7d: {  	_ =	shalt  }
0x7e: {  	_ =	shalt  }
0x7f: {  	_ =	shalt  }
0x80: {  	_ =	shalt  }
0x81: {  	_ =	shalt  }
0x82: {  	_ =	shalt  }
0x83: {  	_ =	shalt  }
0x84: {  	_ =	shalt  }
0x85: {  	_ =	shalt  }
0x86: {  	_ =	shalt  }
0x87: {  	_ =	shalt  }
.Lfunc_end0:
.L_simem_size_0:
called_computation_lowered:
.L_overlay_start_0:
0x88: {  	s2 =	sld [smem:$0x3FD9]  }
0x89: {  	s3 =	sld [smem:$0x3FFE];
	_ =	sdelay $0x1  }
0x8a: {  	s1 =	srdreg.scid  }
0x8b: {  	s0 =	sand.u32 $0x1, s1  }
0x8c: {  	s17 =	sshll.u32 s0, $0xA;
	s2 =	sadd.s32 s3, s2  }
0x8d: {  	s2 =	sadd.s32 s2, s17  }
0x8e: {  	[smem:$0x3FC4] =	sst s2  }
0x8f: {  	_ = 	snop  }
0x90: {  	s2 =	sld [smem:$0x3FD0];
	(tm) =	ssettm $0x1  }
0x91: {  	s18 =	sld [smem:$0x3FFB];
	_ =	sdelay $0x3  }
0x92: {  	_ =	strace s18  }
0x93: {  	s3 =	sld [smem:$0x3FFC];
	_ =	sdelay $0x3  }
0x94: {  	_ =	strace s3  }
0x95: {  	s3 =	sld [smem:$0x3FFD];
	_ =	sdelay $0x3  }
0x96: {  	_ =	strace s3  }
0x97: {  	_ =	strace $0x8FFFFFFF  }
0x98: {  	s19 =	sld [smem:$0x3FDB];
	_ =	sdelay $0x1  }
0x99: {  	s4 =	simm.s32 $_scs_section_size  }
0x9a: {  	s5 =	simm.s32 $_size__tile_overlayer_lowered;
	s6 =	simm.s32 $_tile_overlayer_lowered  }
0x9b: {  	s22 =	simm.s32 $0x1BFF;
	s21 =	sshll.u32 s6, $0x1;
	s3 =	sadd.s32 s4, s19  }
0x9c: {  	s7 =	simm.s32 $0x0;
	s20 =	sshll.u32 s5, $0x1;
	s5 =	sadd.s32 s21, s3  }
0x9d: {  	[timem:s7], [sflag:s22] =	dma.local [hbm:s5], s20  }
0x9e: {  	_ =	swait.ge [sflag:s22], s20  }
0x9f: {  	s4 =	ssub.s32 $0x0, s20;
	[sflag:s22] =	ssyncset.done $0x0  }
0xa0: {  	[sflag:s22] =	ssyncadd.s32 s4;
	_ =	sdelay $0x1  }
0xa1: {  	s23 =	simm.s32 $0x1B8B  }
0xa2: {  	_ =	swait.ge [sflag:s23], $0x1  }
0xa3: {  	[sflag:s23] =	ssyncset.done $0x0  }
0xa4: {  	s25 =	simm.s32 $0x1B8E;
	s24 =	sld [smem:$0x3FFE];
	[sflag:s23] =	ssyncadd.s32 $0xFFFFFFFF  }
0xa5: {  	s26 =	simm.s32 $execute0_lowered;
	[smem:$0x3FD2] =	sst s25  }
0xa6: {  	s5 =	sshll.u32 s26, $0x1;
	_ =	strace $0x80000046;
	[dreg:$0x1] =	wrdreg $0xFFFFFFFF  }
0xa7: {  	s28 =	simm.s32 $_size_execute0_lowered;
	s3 =	sadd.s32 s3, s5;
	[dreg:$0x0] =	wrdreg $0x0  }
0xa8: {  	s5 =	sshll.u32 s28, $0x1;
	[dreg:$0x2] =	wrdreg s3  }
0xa9: {  	[dreg:$0x3] =	wrdreg s5  }
0xaa: {  	[dreg:$0x4] =	wrdreg $0xC0  }
0xab: {  	_ =	task [dreg:s7], $0x5FFFF  }
0xac: {  	[dreg:$0x1] =	wrdreg $0xFFFFFFFF  }
0xad: {  	[dreg:$0x0] =	wrdreg $0x60  }
0xae: {  	[dreg:$0x2] =	wrdreg s24  }
0xaf: {  	[dreg:$0x3] =	wrdreg s2  }
0xb0: {  	[dreg:$0x4] =	wrdreg $0x53200  }
0xb1: {  	[dreg:$0x5] =	wrdreg $0x9  }
0xb2: {  	_ =	task.clear_ibuf [dreg:s7], $0x6FFFF;
	_ =	strace $0x90000046  }
0xb3: {  	s29 =	simm.s32 $0x9;
	_ =	strace $0x80000048  }
0xb4: {  	_ =	swait.ge [sflag:s29], $0x1  }
0xb5: {  	[sflag:s29] =	ssyncadd.s32 $0xFFFFFFFF  }
0xb6: {  	_ =	strace $0x90000048  }
0xb7: {  	_ =	sfence  }
0xb8: {  	s30 =	sld [smem:$0x0];
	_ =	sdelay $0x2  }
0xb9: {  	s31 =	sshll.u32 s1, $0xD;
	s1 =	sshrl.u32 s1, $0x2  }
0xba: {  	s3 =	sand.u32 $0x4000, s31;
	s1 =	sadd.s32 s1, s30  }
0xbb: {  	s0 =	sor.u32 s3, s0;
	s1 =	sshll.u32 s1, $0x11  }
0xbc: {  	s0 =	sor.u32 s1, s0  }
0xbd: {  	s0 =	sadd.s32 $0x8F2B, s0  }
0xbe: {  	[sflag:s0] =	ssyncadd.remote.s32 $0x1  }
0xbf: {  	_ =	sfence.sel $0xFFFF  }
0xc0: {  	[dreg:$0x0] =	wrdreg $0xFFFFFFFF;
	(pc) =	sbr.abs _section_cstart, $3  }
0xc1: {  	[dreg:$0x1] =	wrdreg $0xFFFFFFFF  }
0xc2: {  	_ =	task.clear_ibuf [dreg:s7], $0x2FFFF;
	_ =	strace $0x9FFFFFFF  }
0xc3: {  	(tm) =	ssettm $0x7FFFFFFF  }
tec
execute0_lowered:
.L_overlay_start_1:
0x0: {  	(tag) =	ssettag $0x1  }
0x1: {  	s5 =	rddreg [dreg:$0x0]  }
0x2: {  	s6 =	rddreg [dreg:$0x1]  }
0x3: {  	s0 =	srdreg.scid;
	s2 =	rddreg [dreg:$0x2];
	s3 =	simm.s32 $0x0  }
0x4: {  	s11 =	simm.s32 $0x2710;
	s4 =	sand.u32 $0x1, s0;
	s0 =	stileid.u32  }
0x5: {  	s12 =	simm.s32 $0x1;
	[smem:$0x7FF] =	sst s3;
	s8 =	smul.u32 $0x27100, s4  }
0x6: {  	s1 =	sshll.u32 s4, $0x4;
	s9 =	smul.u32 $0x2710, s0;
	s4 =	ssub.s32 $0x2, s4  }
0x7: {  	s10 =	smul.u32 $0x9C40, s0;
	s13 =	sshll.u32 s0, $0x6;
	s1 =	sor.u32 s0, s1  }
0x8: {  	s30 =	sshrl.u32 s4, $0x1;
	s13 =	sor.u32 $0x1C02, s13;
	s7 =	smul.u32 $0x4E2, s1  }
0x9: {  	s1 =	rddreg [dreg:$0x3];
	_ =	strace $0x80000047;
	s8 =	sadd.s32 s9, s8  }
0xa: {  	s31 =	sshrl.u32 s10, $0x2;
	s9 =	simm.s32 $0x2;
	s10 =	simm.s32 $0x50  }
0xb: {  	s8 =	sshrl.u32 s8, $0x3;
	s5 =	sadd.s32 s7, s5;
	s7 =	ssub.s32 s4, s30  }
0xc: {  	s4 =	sadd.s32 s31, s2;
	s6 =	sadd.s32 s6, s8;
	s8 =	simm.s32 $0x2C10  }
0xd: {  	v0 =	vimm.f32 $1.000000000e+00;
	v1 =	vimm.f32 $0.0e+00;
	s5 =	sadd.s32 $0xC00, s5;
	s7 =	smax.u32 s7, $0x1;
	s14 =	sshrl.u32 s4, $0x3  }
.LBB2_1:
0xe: {  	s15 =	simm.s32 $0x0  }
.LBB2_2:
0xf: {  	p0 =	sne.s32 s15, $0x13C0  }
.Ltmp0:
0x10: {  	_ = 	snop;
	(pc) =	sbr.rel @p0 .LBB2_2-.Ltmp0, $3  }
0x11: {  	_ =	sdelay $0x1  }
0x12: {  	s16 =	sshra.s32 s15, $0x2  }
0x13: {  	s15 =	sadd.s32 $0x40, s15;
	[tilespmem:s16+$0x2710] =	vst v0  }
0x14: {  	s15 =	simm.s32 $0x40;
	s16 =	simm.s32 $0x0  }
.LBB2_4:
0x15: {  	p0 =	sne.s32 s15, $0x9C00;
	[tilespmem:s16+$0x2C10] =	vst v1;
	s16 =	smov.u32 s15;
	s15 =	sadd.s32 $0x40, s15  }
.Ltmp1:
0x16: {  	(pc) =	sbr.rel @p0 .LBB2_4-.Ltmp1, $2  }
0x17: {  	_ =	sdelay $0x2  }
0x18: {  	s16 =	sshra.s32 s16, $0x2  }
0x19: {  	[tilespmem:s16+$0x2C10] =	vst v1  }
0x1a: {  	[spmem:s4] =	stream.linear.scatter [tilespmem:s8], [sflag:$0x2], $0x2710, $0x38;
	[tilespmem:$0x7A30] =	vst v63  }
0x1b: {  	_ =	swait.ge [sflag:s9], $0x2710  }
0x1c: {  	[sflag:s9] =	ssyncset.done $0x0  }
0x1d: {  	[sflag:s9] =	ssyncadd.s32 $0xFFFFD8F0  }
0x1e: {  	s15 =	simm.s32 $0x0;
	[bflag:$0x0] =	sbarrier.arrive $0xFFFF  }
0x1f: {  	[tilespmem:s15], [sflag:$0x2] =	stream.linear.gather [hbm4b:s5+s15], $0x2710, $0x38;
	[tilespmem:$0x7A30] =	vst v63  }
0x20: {  	_ =	swait.ge [sflag:s9], $0x2710  }
0x21: {  	[sflag:s9] =	ssyncset.done $0x0  }
0x22: {  	[sflag:s9] =	ssyncadd.s32 $0xFFFFD8F0  }
.LBB2_6:
0x23: {  	p0 =	sne.s32 s15, $0x9B00  }
.Ltmp2:
0x24: {  	_ = 	snop;
	(pc) =	sbr.rel @p0 .LBB2_6-.Ltmp2, $3  }
0x25: {  	_ =	sdelay $0x1  }
0x26: {  	s16 =	sshra.s32 s15, $0x2;
	s15 =	sadd.s32 $0x140, s15  }
0x27: {  	[spmem:s2] =	stream.indirect.scatter.add.f32 [tilespmem:s11], [sflag:$0x1], $0x10, s16, s10, $0xb8;
	[tilespmem:$0x7A30] =	vst v63  }
0x28: {  	_ =	swait.ge [sflag:s12], $0x500  }
0x29: {  	s15 =	simm.s32 $0x7C;
	[sflag:s12] =	ssyncset.done $0x0  }
.LBB2_8:
0x2a: {  	p0 =	sne.s32 s15, $0x1;
	s15 =	sadd.s32 $0xFFFFFFFF, s15;
	[sflag:s12] =	ssyncadd.s32 $0xFFFFFB00  }
.Ltmp3:
0x2b: {  	(pc) =	sbr.rel @p0 .LBB2_8-.Ltmp3, $3  }
0x2c: {  	_ =	sdelay $0x1  }
0x2d: {  	_ =	swait.ge [sflag:s12], $0x500  }
0x2e: {  	[sflag:s12] =	ssyncset.done $0x0  }
0x2f: {  	s3 =	sadd.s32 $0x1, s3  }
0x30: {  	[sflag:s12] =	ssyncadd.s32 $0xFFFFFB00;
	p0 =	sne.s32 s3, s7  }
.Ltmp4:
0x31: {  	[bflag:$0x0] =	sbarrier.arrive $0xFFFF;
	(pc) =	sbr.rel @p0 .LBB2_1-.Ltmp4, $4  }
0x32: {  	[hbm:s6], [sflag:s13] =	dma.local [spmem:s14], $0x4E2  }
0x33: {  	_ =	swait.ge [sflag:s9], $0x4E2  }
0x34: {  	[sflag:s9] =	ssyncset.done $0x0  }
0x35: {  	[sflag:s9] =	ssyncadd.s32 $0xFFFFFB1E  }
0x36: {  	_ =	sfence.sel $0x180000  }
0x37: {  	[bflag:$0x0] =	sbarrier.arrive $0xFFFF  }
0x38: {  	p0 =	sne.s32 s0, $0x0;
	_ =	strace $0x90000047  }
0x39: {  	s0 =	sadd.s32 @!p0 $0x100000, s1;
	[bflag:$0x2] =	sbarrier.arrive $0xFFFF  }
0x3a: {  	[sflag:s0] =	ssyncadd.tile.s32 @!p0 $0x1;
	_ =	shalt  }
.Lfunc_end2:
_tile_overlayer_lowered:
.L_overlay_start_2:
0x3b: {  	(tag) =	ssettag $0x2  }
0x3c: {  	s0 =	rddreg [dreg:$0x0];
	s2 =	stileid.u32  }
0x3d: {  	s1 =	rddreg [dreg:$0x1];
	p0 =	sne.s32 s2, $0x0  }
0x3e: {  	s3 =	rddreg [dreg:$0x2];
	[bflag:$0x3] =	sbarrier.arrive $0xFFFF;
	s2 =	simm.s32 @!p0 $0x1C02  }
0x3f: {  	[timem:s3], [sflag:s2] =	dma.local @!p0 [hbm:s0], s1  }
0x40: {  	s0 =	simm.s32 @!p0 $0x2  }
0x41: {  	_ =	swait.ge @!p0 [sflag:s0], s1  }
0x42: {  	s1 =	ssub.s32 @!p0 $0x0, s1;
	[sflag:s0] =	ssyncset.done @!p0 $0x0  }
0x43: {  	[sflag:s0] =	ssyncadd.s32 @!p0 s1  }
0x44: {  	[bflag:$0x3] =	sbarrier.arrive $0xFFFF  }
0x45: {  	_ =	shalt  }

// kernel: kernel.9.cloned.1.call-start
scs
__scs_entry_jumppad:
0x0: {  	(pc) =	sbr.rel $0x88, $3  }
0x1: {  	(tag) =	ssettag $0x0;
	lr =	simm.s32 $0x1  }
0x2: {  	[smem:$0x3F9D] =	sst lr;
	_ =	strace $0xD0000000  }
0x3: {  	_ = 	snop  }
0x4: {  	_ = 	snop  }
0x5: {  	_ = 	snop  }
0x6: {  	_ = 	snop  }
0x7: {  	_ = 	snop  }
__scs_overlays_trampoline_lowered:
0x8: {  	[smem:$0x3FAC] =	sst s0  }
0x9: {  	[smem:$0x3FAD] =	sst s1  }
0xa: {  	[smem:$0x3FAE] =	sst s2  }
0xb: {  	[smem:$0x3FAF] =	sst s3  }
0xc: {  	[smem:$0x3FB0] =	sst s4  }
0xd: {  	[smem:$0x3FB1] =	sst s5  }
0xe: {  	[smem:$0x3FB2] =	sst s6  }
0xf: {  	[smem:$0x3FB3] =	sst s7  }
0x10: {  	[smem:$0x3FB4] =	sst s8  }
0x11: {  	[smem:$0x3FB5] =	sst s9;
	s0 =	simm.s32 @!p0 $0x0  }
0x12: {  	s1 =	sld [smem:$0x3F9B];
	s0 =	simm.s32 @p0 $0x1  }
0x13: {  	[smem:$0x3FB6] =	sst s0;
	s0 =	simm.s32 @!p1 $0x0  }
0x14: {  	s2 =	sld [smem:$0x3F9A];
	s0 =	simm.s32 @p1 $0x1  }
0x15: {  	[smem:$0x3FB7] =	sst s0;
	s0 =	simm.s32 @!p2 $0x0  }
0x16: {  	s3 =	sld [smem:$0x3FDB];
	s0 =	simm.s32 @p2 $0x1  }
0x17: {  	s4 =	simm.s32 $0x1BF5;
	[smem:$0x3FB9] =	sst s0  }
0x18: {  	s0 =	sld [smem:$0x3F9C];
	_ =	swait.ge [sflag:s4], $0x0  }
0x19: {  	s7 =	sld [smem:$0x3F9D]  }
0x1a: {  	s8 =	sadd.s32 $0xFFFFE003, lr  }
0x1b: {  	s9 =	sadd.s32 $0xFFFFFEF7, lr;
	s5 =	simm.s32 $0xFFFFFFFF;
	p2 =	slt.u32 s8, $0xFFFFF086  }
0x1c: {  	p1 =	slt.u32 s9, $0xF7A;
	s5 =	simm.s32 @!p2 $0x0  }
0x1d: {  	s5 =	simm.s32 @p1 $0x1;
	p0 =	seq.s32 s7, s2  }
0x1e: {  	s7 =	smul.u32 @!p0 $0xF7A, s2;
	p2 =	seq.s32 @!p0 s5, $0x0  }
0x1f: {  	s9 =	smul.u32 $0xF7A, s1;
	s8 =	simm.s32 @!p0 $0x1BF5;
	p2 =	por !p2, p0  }
0x20: {  	[sflag:s8] =	ssyncset.s32 @!p0 $0xFFFFF086;
	s6 =	sadd.s32 @!p0 s3, s7;
	s7 =	simm.s32 @!p0 $0x108  }
0x21: {  	s3 =	sadd.s32 s3, s9;
	s6 =	sadd.s32 @!p0 $0x88, s6;
	s7 =	simm.s32 @p2 $0x1082  }
0x22: {  	[simem:s7], [sflag:s8] =	dma.local @!p0 [hbm:s6], $0xF7A  }
0x23: {  	s9 =	sor.u32 $0xD0000000, s2;
	s6 =	simm.s32 $0x108;
	_ =	swait.ge @!p0 [sflag:s8], $0x0  }
0x24: {  	s3 =	sadd.s32 $0x88, s3;
	s6 =	simm.s32 @!p1 $0x1082;
	[sflag:s4] =	ssyncset.s32 $0xFFFFF086  }
0x25: {  	[simem:s6], [sflag:s4] =	dma.local [hbm:s3], $0xF7A  }
0x26: {  	[smem:$0x3F9D] =	sst s1;
	(tag) =	ssettag s2;
	_ =	strace s9  }
0x27: {  	s1 =	sld [smem:$0x3FAD]  }
0x28: {  	s2 =	sld [smem:$0x3FAE]  }
0x29: {  	s4 =	sld [smem:$0x3FB0]  }
0x2a: {  	p0 =	seq.s32 s5, $0x0;
	s5 =	sld [smem:$0x3FB1]  }
0x2b: {  	s6 =	sld [smem:$0x3FB2]  }
0x2c: {  	s7 =	sld [smem:$0x3FB3]  }
0x2d: {  	s3 =	simm.s32 $0x108;
	s8 =	sld [smem:$0x3FB4]  }
0x2e: {  	s3 =	simm.s32 @!p0 $0x1082;
	s9 =	sld [smem:$0x3FB5]  }
0x2f: {  	lr =	sadd.s32 s0, s3;
	s0 =	sld [smem:$0x3FAC]  }
0x30: {  	s3 =	sld [smem:$0x3FAF]  }
0x31: {  	[smem:$0x3FB8] =	sst s10  }
0x32: {  	s10 =	sld [smem:$0x3FB6];
	_ =	sdelay $0x3  }
0x33: {  	p0 =	seq.s32 s10, $0x1;
	s10 =	sld [smem:$0x3FB8];
	_ =	sdelay $0x3  }
0x34: {  	[smem:$0x3FB8] =	sst s10  }
0x35: {  	s10 =	sld [smem:$0x3FB7];
	_ =	sdelay $0x3  }
0x36: {  	p1 =	seq.s32 s10, $0x1;
	s10 =	sld [smem:$0x3FB8];
	_ =	sdelay $0x3  }
0x37: {  	[smem:$0x3FB8] =	sst s10  }
0x38: {  	s10 =	sld [smem:$0x3FB9]  }
0x39: {  	_ = 	snop;
	(pc) =	sbr.ind lr, $3  }
0x3a: {  	_ = 	snop  }
0x3b: {  	_ = 	snop  }
0x3c: {  	p2 =	seq.s32 s10, $0x1;
	s10 =	sld [smem:$0x3FB8]  }
0x3d: {  	_ =	shalt  }
0x3e: {  	_ =	shalt  }
0x3f: {  	_ =	shalt  }
0x40: {  	_ =	shalt  }
0x41: {  	_ =	shalt  }
0x42: {  	_ =	shalt  }
0x43: {  	_ =	shalt  }
0x44: {  	_ =	shalt  }
0x45: {  	_ =	shalt  }
0x46: {  	_ =	shalt  }
0x47: {  	_ =	shalt  }
0x48: {  	_ =	shalt  }
0x49: {  	_ =	shalt  }
0x4a: {  	_ =	shalt  }
0x4b: {  	_ =	shalt  }
0x4c: {  	_ =	shalt  }
0x4d: {  	_ =	shalt  }
0x4e: {  	_ =	shalt  }
0x4f: {  	_ =	shalt  }
0x50: {  	_ =	shalt  }
0x51: {  	_ =	shalt  }
0x52: {  	_ =	shalt  }
0x53: {  	_ =	shalt  }
0x54: {  	_ =	shalt  }
0x55: {  	_ =	shalt  }
0x56: {  	_ =	shalt  }
0x57: {  	_ =	shalt  }
0x58: {  	_ =	shalt  }
0x59: {  	_ =	shalt  }
0x5a: {  	_ =	shalt  }
0x5b: {  	_ =	shalt  }
0x5c: {  	_ =	shalt  }
0x5d: {  	_ =	shalt  }
0x5e: {  	_ =	shalt  }
0x5f: {  	_ =	shalt  }
0x60: {  	_ =	shalt  }
0x61: {  	_ =	shalt  }
0x62: {  	_ =	shalt  }
0x63: {  	_ =	shalt  }
0x64: {  	_ =	shalt  }
0x65: {  	_ =	shalt  }
0x66: {  	_ =	shalt  }
0x67: {  	_ =	shalt  }
0x68: {  	_ =	shalt  }
0x69: {  	_ =	shalt  }
0x6a: {  	_ =	shalt  }
0x6b: {  	_ =	shalt  }
0x6c: {  	_ =	shalt  }
0x6d: {  	_ =	shalt  }
0x6e: {  	_ =	shalt  }
0x6f: {  	_ =	shalt  }
0x70: {  	_ =	shalt  }
0x71: {  	_ =	shalt  }
0x72: {  	_ =	shalt  }
0x73: {  	_ =	shalt  }
0x74: {  	_ =	shalt  }
0x75: {  	_ =	shalt  }
0x76: {  	_ =	shalt  }
0x77: {  	_ =	shalt  }
0x78: {  	_ =	shalt  }
0x79: {  	_ =	shalt  }
0x7a: {  	_ =	shalt  }
0x7b: {  	_ =	shalt  }
0x7c: {  	_ =	shalt  }
0x7d: {  	_ =	shalt  }
0x7e: {  	_ =	shalt  }
0x7f: {  	_ =	shalt  }
0x80: {  	_ =	shalt  }
0x81: {  	_ =	shalt  }
0x82: {  	_ =	shalt  }
0x83: {  	_ =	shalt  }
0x84: {  	_ =	shalt  }
0x85: {  	_ =	shalt  }
0x86: {  	_ =	shalt  }
0x87: {  	_ =	shalt  }
.Lfunc_end0:
.L_simem_size_0:
called_computation.1_lowered:
.L_overlay_start_0:
0x88: {  	s2 =	sld [smem:$0x3FD9]  }
0x89: {  	s3 =	sld [smem:$0x3FFE];
	_ =	sdelay $0x1  }
0x8a: {  	s1 =	srdreg.scid  }
0x8b: {  	s0 =	sand.u32 $0x1, s1  }
0x8c: {  	s17 =	sshll.u32 s0, $0xA;
	s2 =	sadd.s32 s3, s2  }
0x8d: {  	s2 =	sadd.s32 s2, s17  }
0x8e: {  	[smem:$0x3FC4] =	sst s2  }
0x8f: {  	_ = 	snop  }
0x90: {  	s2 =	sld [smem:$0x3FD0];
	(tm) =	ssettm $0x1  }
0x91: {  	s18 =	sld [smem:$0x3FFB];
	_ =	sdelay $0x3  }
0x92: {  	_ =	strace s18  }
0x93: {  	s3 =	sld [smem:$0x3FFC];
	_ =	sdelay $0x3  }
0x94: {  	_ =	strace s3  }
0x95: {  	s3 =	sld [smem:$0x3FFD];
	_ =	sdelay $0x3  }
0x96: {  	_ =	strace s3  }
0x97: {  	_ =	strace $0x8FFFFFFF  }
0x98: {  	s19 =	sld [smem:$0x3FDB];
	_ =	sdelay $0x1  }
0x99: {  	s4 =	simm.s32 $_scs_section_size  }
0x9a: {  	s5 =	simm.s32 $_size__tile_overlayer_lowered;
	s6 =	simm.s32 $_tile_overlayer_lowered  }
0x9b: {  	s22 =	simm.s32 $0x1BFF;
	s21 =	sshll.u32 s6, $0x1;
	s3 =	sadd.s32 s4, s19  }
0x9c: {  	s7 =	simm.s32 $0x0;
	s20 =	sshll.u32 s5, $0x1;
	s5 =	sadd.s32 s21, s3  }
0x9d: {  	[timem:s7], [sflag:s22] =	dma.local [hbm:s5], s20  }
0x9e: {  	_ =	swait.ge [sflag:s22], s20  }
0x9f: {  	s4 =	ssub.s32 $0x0, s20;
	[sflag:s22] =	ssyncset.done $0x0  }
0xa0: {  	[sflag:s22] =	ssyncadd.s32 s4;
	_ =	sdelay $0x1  }
0xa1: {  	s23 =	simm.s32 $0x1B8B  }
0xa2: {  	_ =	swait.ge [sflag:s23], $0x1  }
0xa3: {  	[sflag:s23] =	ssyncset.done $0x0  }
0xa4: {  	s25 =	simm.s32 $0x1B8E;
	s24 =	sld [smem:$0x3FFE];
	[sflag:s23] =	ssyncadd.s32 $0xFFFFFFFF  }
0xa5: {  	s26 =	simm.s32 $execute0_lowered;
	[smem:$0x3FD2] =	sst s25  }
0xa6: {  	s5 =	sshll.u32 s26, $0x1;
	_ =	strace $0x80000049;
	[dreg:$0x1] =	wrdreg $0xFFFFFFFF  }
0xa7: {  	s28 =	simm.s32 $_size_execute0_lowered;
	s3 =	sadd.s32 s3, s5;
	[dreg:$0x0] =	wrdreg $0x0  }
0xa8: {  	s5 =	sshll.u32 s28, $0x1;
	[dreg:$0x2] =	wrdreg s3  }
0xa9: {  	[dreg:$0x3] =	wrdreg s5  }
0xaa: {  	[dreg:$0x4] =	wrdreg $0xC0  }
0xab: {  	_ =	task [dreg:s7], $0x5FFFF  }
0xac: {  	[dreg:$0x1] =	wrdreg $0xFFFFFFFF  }
0xad: {  	[dreg:$0x0] =	wrdreg $0x60  }
0xae: {  	[dreg:$0x2] =	wrdreg s24  }
0xaf: {  	[dreg:$0x3] =	wrdreg s2  }
0xb0: {  	[dreg:$0x4] =	wrdreg $0x11F800  }
0xb1: {  	[dreg:$0x5] =	wrdreg $0x9  }
0xb2: {  	_ =	task.clear_ibuf [dreg:s7], $0x6FFFF;
	_ =	strace $0x90000049  }
0xb3: {  	s29 =	simm.s32 $0x9;
	_ =	strace $0x8000004B  }
0xb4: {  	_ =	swait.ge [sflag:s29], $0x1  }
0xb5: {  	[sflag:s29] =	ssyncadd.s32 $0xFFFFFFFF  }
0xb6: {  	_ =	strace $0x9000004B  }
0xb7: {  	_ =	sfence  }
0xb8: {  	s30 =	sld [smem:$0x0];
	_ =	sdelay $0x2  }
0xb9: {  	s31 =	sshll.u32 s1, $0xD;
	s1 =	sshrl.u32 s1, $0x2  }
0xba: {  	s3 =	sand.u32 $0x4000, s31;
	s1 =	sadd.s32 s1, s30  }
0xbb: {  	s0 =	sor.u32 s3, s0;
	s1 =	sshll.u32 s1, $0x11  }
0xbc: {  	s0 =	sor.u32 s1, s0  }
0xbd: {  	s0 =	sadd.s32 $0x8F2B, s0  }
0xbe: {  	[sflag:s0] =	ssyncadd.remote.s32 $0x1  }
0xbf: {  	_ =	sfence.sel $0xFFFF  }
0xc0: {  	[dreg:$0x0] =	wrdreg $0xFFFFFFFF;
	(pc) =	sbr.abs _section_cstart, $3  }
0xc1: {  	[dreg:$0x1] =	wrdreg $0xFFFFFFFF  }
0xc2: {  	_ =	task.clear_ibuf [dreg:s7], $0x2FFFF;
	_ =	strace $0x9FFFFFFF  }
0xc3: {  	(tm) =	ssettm $0x7FFFFFFF  }
tec
execute0_lowered:
.L_overlay_start_1:
0x0: {  	(tag) =	ssettag $0x1  }
0x1: {  	s0 =	rddreg [dreg:$0x0]  }
0x2: {  	s6 =	stileid.u32;
	s11 =	rddreg [dreg:$0x1]  }
0x3: {  	s1 =	srdreg.scid;
	s2 =	rddreg [dreg:$0x2];
	s3 =	simm.s32 $0x0  }
0x4: {  	s14 =	simm.s32 $0x10040;
	s15 =	simm.s32 $0x6;
	s17 =	simm.s32 $0x50  }
0x5: {  	s18 =	simm.s32 $0x9C40;
	s19 =	simm.s32 $0xB040;
	s21 =	simm.s32 $0xC440  }
0x6: {  	s23 =	simm.s32 $0xD840;
	s24 =	simm.s32 $0x1;
	s28 =	simm.s32 $0x3  }
0x7: {  	s29 =	simm.s32 $0x4;
	s30 =	simm.s32 $0x5;
	s4 =	smul.u32 $0x9C4, s6  }
0x8: {  	s20 =	simm.s32 $0x9BA0;
	s22 =	simm.s32 $0x9BF0;
	s5 =	smul.u32 $0x9C40, s6  }
0x9: {  	s1 =	sand.u32 $0x1, s1;
	[smem:$0x7FF] =	sst s3;
	s6 =	smul.u32 $0x27100, s6  }
0xa: {  	s9 =	smul.u32 $0x9C400, s1;
	_ =	strace $0x8000004A;
	s1 =	ssub.s32 $0x2, s1  }
0xb: {  	s10 =	sadd.s32 s4, s0;
	s26 =	sshrl.u32 s6, $0x2;
	s31 =	sshrl.u32 s1, $0x1  }
0xc: {  	s25 =	sadd.s32 s5, s9;
	s1 =	ssub.s32 s1, s31;
	s12 =	sshrl.u32 s9, $0x3  }
0xd: {  	s9 =	sadd.s32 $0xAA00, s10;
	s10 =	sadd.s32 $0xC00, s10;
	s4 =	sshrl.u32 s25, $0x3  }
0xe: {  	s11 =	sadd.s32 s11, s12;
	s13 =	smax.u32 s1, $0x1;
	s25 =	simm.s32 $0xEC40  }
0xf: {  	s1 =	simm.s32 $0x4DD0;
	s0 =	sadd.s32 s4, s0;
	s4 =	sadd.s32 s26, s2  }
0x10: {  	s26 =	simm.s32 $0x2;
	s5 =	sadd.s32 $0x1F40, s4;
	s6 =	sadd.s32 $0x3E80, s4  }
0x11: {  	v0 =	vimm.f32 $0.0e+00;
	s7 =	sadd.s32 $0x5DC0, s4;
	s8 =	sadd.s32 $0x7D00, s4;
	s12 =	sadd.s32 $0x62A00, s0  }
.LBB2_1:
0x12: {  	s31 =	simm.s32 $0x100;
	s16 =	simm.s32 $0x0  }
.LBB2_2:
0x13: {  	p0 =	sne.s32 s31, $0x7C00;
	[tilespmem:s16+$0x10070] =	vst v0;
	s0 =	smov.u32 s31;
	s31 =	sadd.s32 $0x100, s31  }
.Ltmp0:
0x14: {  	[tilespmem:s16+$0x10060] =	vst v0;
	(pc) =	sbr.rel @p0 .LBB2_2-.Ltmp0, $3  }
0x15: {  	[tilespmem:s16+$0x10040] =	vst v0  }
0x16: {  	[tilespmem:s16+$0x10050] =	vst v0;
	_ =	sdelay $0x1  }
0x17: {  	s16 =	sshra.s32 s0, $0x2  }
0x18: {  	[tilespmem:s16+$0x10070] =	vst v0  }
0x19: {  	[tilespmem:s16+$0x10060] =	vst v0  }
0x1a: {  	[tilespmem:s16+$0x10040] =	vst v0  }
0x1b: {  	[tilespmem:s16+$0x10050] =	vst v0  }
0x1c: {  	[spmem:s4] =	stream.linear.scatter [tilespmem:s14], [sflag:$0x6], $0x1F40, $0x38;
	[tilespmem:$0x1BBC0] =	vst v63  }
0x1d: {  	_ =	swait.ge [sflag:s15], $0x1F40  }
0x1e: {  	[sflag:s15] =	ssyncset.done $0x0  }
0x1f: {  	[sflag:s15] =	ssyncadd.s32 $0xFFFFE0C0  }
0x20: {  	[spmem:s5] =	stream.linear.scatter [tilespmem:s14], [sflag:$0x6], $0x1F40, $0x38;
	[tilespmem:$0x1BBC0] =	vst v63  }
0x21: {  	_ =	swait.ge [sflag:s15], $0x1F40  }
0x22: {  	[sflag:s15] =	ssyncset.done $0x0  }
0x23: {  	[sflag:s15] =	ssyncadd.s32 $0xFFFFE0C0  }
0x24: {  	[spmem:s6] =	stream.linear.scatter [tilespmem:s14], [sflag:$0x6], $0x1F40, $0x38;
	[tilespmem:$0x1BBC0] =	vst v63  }
0x25: {  	_ =	swait.ge [sflag:s15], $0x1F40  }
0x26: {  	[sflag:s15] =	ssyncset.done $0x0  }
0x27: {  	[sflag:s15] =	ssyncadd.s32 $0xFFFFE0C0  }
0x28: {  	[spmem:s7] =	stream.linear.scatter [tilespmem:s14], [sflag:$0x6], $0x1F40, $0x38;
	[tilespmem:$0x1BBC0] =	vst v63  }
0x29: {  	_ =	swait.ge [sflag:s15], $0x1F40  }
0x2a: {  	[sflag:s15] =	ssyncset.done $0x0  }
0x2b: {  	[sflag:s15] =	ssyncadd.s32 $0xFFFFE0C0  }
0x2c: {  	[spmem:s8] =	stream.linear.scatter [tilespmem:s14], [sflag:$0x6], $0x1F40, $0x38;
	[tilespmem:$0x1BBC0] =	vst v63  }
0x2d: {  	_ =	swait.ge [sflag:s15], $0x1F40  }
0x2e: {  	[sflag:s15] =	ssyncset.done $0x0  }
0x2f: {  	s0 =	simm.s32 $0x0;
	[sflag:s15] =	ssyncadd.s32 $0xFFFFE0C0  }
0x30: {  	[tilespmem:s0], [sflag:$0x6] =	stream.linear.gather [hbm4b:s9+s0], $0x4E20, $0x38;
	[tilespmem:$0x1BBC0] =	vst v63  }
0x31: {  	_ =	swait.ge [sflag:s15], $0x4E20  }
0x32: {  	[sflag:s15] =	ssyncset.done $0x0  }
0x33: {  	s16 =	simm.s32 $0x4E20;
	[sflag:s15] =	ssyncadd.s32 $0xFFFFB1E0  }
0x34: {  	[tilespmem:s16], [sflag:$0x6] =	stream.linear.gather [hbm4b:s10+s0], $0x4E20, $0x38;
	[tilespmem:$0x1BBC0] =	vst v63  }
0x35: {  	_ =	swait.ge [sflag:s15], $0x4E20  }
0x36: {  	[sflag:s15] =	ssyncset.done $0x0  }
0x37: {  	[sflag:s15] =	ssyncadd.s32 $0xFFFFB1E0  }
0x38: {  	[bflag:$0x0] =	sbarrier.arrive $0xFFFF  }
0x39: {  	[tilespmem:s18], [sflag:$0x1] =	stream.indirect.gather [hbm4b:s11+s17], $0x40, s0, s17, $0xb8;
	[tilespmem:$0x1BBC0] =	vst v63  }
0x3a: {  	_ = 	snop  }
0x3b: {  	[tilespmem:s19], [sflag:$0x2] =	stream.indirect.gather [hbm4b:s11+s17], $0x40, s17, s17, $0xb8;
	[tilespmem:$0x1BBC0] =	vst v63  }
0x3c: {  	s16 =	simm.s32 $0xA0  }
0x3d: {  	[tilespmem:s21], [sflag:$0x3] =	stream.indirect.gather [hbm4b:s11+s17], $0x40, s16, s17, $0xb8;
	[tilespmem:$0x1BBC0] =	vst v63  }
0x3e: {  	s16 =	simm.s32 $0xF0  }
0x3f: {  	[tilespmem:s23], [sflag:$0x4] =	stream.indirect.gather [hbm4b:s11+s17], $0x40, s16, s17, $0xb8;
	[tilespmem:$0x1BBC0] =	vst v63  }
0x40: {  	_ =	swait.ge [sflag:s24], $0x1400  }
0x41: {  	[sflag:s24] =	ssyncset.done $0x0  }
0x42: {  	s16 =	simm.s32 $0x4E20;
	[sflag:s24] =	ssyncadd.s32 $0xFFFFEC00  }
0x43: {  	[spmem:s2] =	stream.indirect.scatter.add.f32 [tilespmem:s18], [sflag:$0x6], $0x40, s16, s17, $0xb8;
	[tilespmem:$0x1BBC0] =	vst v63  }
0x44: {  	_ =	swait.ge [sflag:s15], $0x1400  }
0x45: {  	[sflag:s15] =	ssyncset.done $0x0  }
0x46: {  	s16 =	simm.s32 $0x140;
	[sflag:s15] =	ssyncadd.s32 $0xFFFFEC00  }
0x47: {  	[tilespmem:s25], [sflag:$0x5] =	stream.indirect.gather [hbm4b:s11+s17], $0x40, s16, s17, $0xb8;
	[tilespmem:$0x1BBC0] =	vst v63  }
0x48: {  	_ =	swait.ge [sflag:s26], $0x1400  }
0x49: {  	[sflag:s26] =	ssyncset.done $0x0  }
0x4a: {  	s16 =	simm.s32 $0x4E70;
	[sflag:s26] =	ssyncadd.s32 $0xFFFFEC00  }
0x4b: {  	[spmem:s2] =	stream.indirect.scatter.add.f32 [tilespmem:s19], [sflag:$0x6], $0x40, s16, s17, $0xb8;
	[tilespmem:$0x1BBC0] =	vst v63  }
0x4c: {  	_ =	swait.ge [sflag:s15], $0x1400  }
0x4d: {  	[sflag:s15] =	ssyncset.done $0x0  }
0x4e: {  	s16 =	simm.s32 $0x190;
	[sflag:s15] =	ssyncadd.s32 $0xFFFFEC00  }
0x4f: {  	[tilespmem:s18], [sflag:$0x1] =	stream.indirect.gather [hbm4b:s11+s17], $0x40, s16, s17, $0xb8;
	[tilespmem:$0x1BBC0] =	vst v63  }
0x50: {  	_ =	swait.ge [sflag:s28], $0x1400  }
0x51: {  	[sflag:s28] =	ssyncset.done $0x0  }
0x52: {  	s16 =	simm.s32 $0x4EC0;
	[sflag:s28] =	ssyncadd.s32 $0xFFFFEC00  }
0x53: {  	[spmem:s2] =	stream.indirect.scatter.add.f32 [tilespmem:s21], [sflag:$0x6], $0x40, s16, s17, $0xb8;
	[tilespmem:$0x1BBC0] =	vst v63  }
0x54: {  	_ =	swait.ge [sflag:s15], $0x1400  }
0x55: {  	[sflag:s15] =	ssyncset.done $0x0  }
0x56: {  	s16 =	simm.s32 $0x1E0;
	[sflag:s15] =	ssyncadd.s32 $0xFFFFEC00  }
0x57: {  	[tilespmem:s19], [sflag:$0x2] =	stream.indirect.gather [hbm4b:s11+s17], $0x40, s16, s17, $0xb8;
	[tilespmem:$0x1BBC0] =	vst v63  }
0x58: {  	_ =	swait.ge [sflag:s29], $0x1400  }
0x59: {  	[sflag:s29] =	ssyncset.done $0x0  }
0x5a: {  	s16 =	simm.s32 $0x4F10;
	[sflag:s29] =	ssyncadd.s32 $0xFFFFEC00  }
0x5b: {  	[spmem:s2] =	stream.indirect.scatter.add.f32 [tilespmem:s23], [sflag:$0x6], $0x40, s16, s17, $0xb8;
	[tilespmem:$0x1BBC0] =	vst v63  }
0x5c: {  	_ =	swait.ge [sflag:s15], $0x1400  }
0x5d: {  	[sflag:s15] =	ssyncset.done $0x0  }
0x5e: {  	s16 =	simm.s32 $0x230;
	[sflag:s15] =	ssyncadd.s32 $0xFFFFEC00  }
0x5f: {  	[tilespmem:s21], [sflag:$0x3] =	stream.indirect.gather [hbm4b:s11+s17], $0x40, s16, s17, $0xb8;
	[tilespmem:$0x1BBC0] =	vst v63  }
0x60: {  	_ =	swait.ge [sflag:s30], $0x1400  }
0x61: {  	[sflag:s30] =	ssyncset.done $0x0  }
0x62: {  	s16 =	simm.s32 $0x4F60;
	[sflag:s30] =	ssyncadd.s32 $0xFFFFEC00  }
0x63: {  	[spmem:s2] =	stream.indirect.scatter.add.f32 [tilespmem:s25], [sflag:$0x6], $0x40, s16, s17, $0xb8;
	[tilespmem:$0x1BBC0] =	vst v63  }
0x64: {  	_ =	swait.ge [sflag:s15], $0x1400  }
0x65: {  	[sflag:s15] =	ssyncset.done $0x0  }
0x66: {  	s31 =	simm.s32 $0x640;
	s16 =	simm.s32 $0x280;
	[sflag:s15] =	ssyncadd.s32 $0xFFFFEC00  }
.LBB2_4:
0x67: {  	[tilespmem:s23], [sflag:$0x4] =	stream.indirect.gather [hbm4b:s11+s17], $0x40, s16, s17, $0xb8;
	[tilespmem:$0x1BBC0] =	vst v63  }
0x68: {  	s0 =	smov.u32 s31  }
0x69: {  	p0 =	sne.s32 s31, $0x12C00;
	s31 =	sadd.s32 $0x640, s31;
	_ =	swait.ge [sflag:s24], $0x1400  }
0x6a: {  	s16 =	sshra.s32 s0, $0x2;
	[sflag:s24] =	ssyncset.done $0x0  }
0x6b: {  	s0 =	sadd.s32 $0x4E20, s16;
	[sflag:s24] =	ssyncadd.s32 $0xFFFFEC00  }
0x6c: {  	[spmem:s2] =	stream.indirect.scatter.add.f32 [tilespmem:s18], [sflag:$0x6], $0x40, s0, s17, $0xb8;
	[tilespmem:$0x1BBC0] =	vst v63  }
0x6d: {  	_ =	swait.ge [sflag:s15], $0x1400  }
0x6e: {  	[sflag:s15] =	ssyncset.done $0x0  }
0x6f: {  	s0 =	sadd.s32 $0x140, s16;
	[sflag:s15] =	ssyncadd.s32 $0xFFFFEC00  }
0x70: {  	[tilespmem:s25], [sflag:$0x5] =	stream.indirect.gather [hbm4b:s11+s17], $0x40, s0, s17, $0xb8;
	[tilespmem:$0x1BBC0] =	vst v63  }
0x71: {  	_ =	swait.ge [sflag:s26], $0x1400  }
0x72: {  	[sflag:s26] =	ssyncset.done $0x0  }
0x73: {  	s0 =	sadd.s32 $0x4E70, s16;
	[sflag:s26] =	ssyncadd.s32 $0xFFFFEC00  }
0x74: {  	[spmem:s2] =	stream.indirect.scatter.add.f32 [tilespmem:s19], [sflag:$0x6], $0x40, s0, s17, $0xb8;
	[tilespmem:$0x1BBC0] =	vst v63  }
0x75: {  	_ =	swait.ge [sflag:s15], $0x1400  }
0x76: {  	[sflag:s15] =	ssyncset.done $0x0  }
0x77: {  	s0 =	sadd.s32 $0x190, s16;
	[sflag:s15] =	ssyncadd.s32 $0xFFFFEC00  }
0x78: {  	[tilespmem:s18], [sflag:$0x1] =	stream.indirect.gather [hbm4b:s11+s17], $0x40, s0, s17, $0xb8;
	[tilespmem:$0x1BBC0] =	vst v63  }
0x79: {  	_ =	swait.ge [sflag:s28], $0x1400  }
0x7a: {  	[sflag:s28] =	ssyncset.done $0x0  }
0x7b: {  	s0 =	sadd.s32 $0x4EC0, s16;
	[sflag:s28] =	ssyncadd.s32 $0xFFFFEC00  }
0x7c: {  	[spmem:s2] =	stream.indirect.scatter.add.f32 [tilespmem:s21], [sflag:$0x6], $0x40, s0, s17, $0xb8;
	[tilespmem:$0x1BBC0] =	vst v63  }
0x7d: {  	_ =	swait.ge [sflag:s15], $0x1400  }
0x7e: {  	[sflag:s15] =	ssyncset.done $0x0  }
0x7f: {  	s0 =	sadd.s32 $0x1E0, s16;
	[sflag:s15] =	ssyncadd.s32 $0xFFFFEC00  }
0x80: {  	[tilespmem:s19], [sflag:$0x2] =	stream.indirect.gather [hbm4b:s11+s17], $0x40, s0, s17, $0xb8;
	[tilespmem:$0x1BBC0] =	vst v63  }
0x81: {  	_ =	swait.ge [sflag:s29], $0x1400  }
0x82: {  	[sflag:s29] =	ssyncset.done $0x0  }
0x83: {  	s0 =	sadd.s32 $0x4F10, s16;
	[sflag:s29] =	ssyncadd.s32 $0xFFFFEC00  }
0x84: {  	[spmem:s2] =	stream.indirect.scatter.add.f32 [tilespmem:s23], [sflag:$0x6], $0x40, s0, s17, $0xb8;
	[tilespmem:$0x1BBC0] =	vst v63  }
0x85: {  	_ =	swait.ge [sflag:s15], $0x1400  }
0x86: {  	[sflag:s15] =	ssyncset.done $0x0  }
0x87: {  	s0 =	sadd.s32 $0x230, s16;
	[sflag:s15] =	ssyncadd.s32 $0xFFFFEC00  }
0x88: {  	[tilespmem:s21], [sflag:$0x3] =	stream.indirect.gather [hbm4b:s11+s17], $0x40, s0, s17, $0xb8;
	[tilespmem:$0x1BBC0] =	vst v63  }
0x89: {  	_ =	swait.ge [sflag:s30], $0x1400  }
0x8a: {  	[sflag:s30] =	ssyncset.done $0x0  }
.Ltmp1:
0x8b: {  	s0 =	sadd.s32 $0x4F60, s16;
	[sflag:s30] =	ssyncadd.s32 $0xFFFFEC00;
	(pc) =	sbr.rel @p0 .LBB2_4-.Ltmp1, $4  }
0x8c: {  	[spmem:s2] =	stream.indirect.scatter.add.f32 [tilespmem:s25], [sflag:$0x6], $0x40, s0, s17, $0xb8;
	[tilespmem:$0x1BBC0] =	vst v63  }
0x8d: {  	_ =	swait.ge [sflag:s15], $0x1400  }
0x8e: {  	[sflag:s15] =	ssyncset.done $0x0  }
0x8f: {  	s16 =	sadd.s32 $0x280, s16;
	[sflag:s15] =	ssyncadd.s32 $0xFFFFEC00  }
0x90: {  	[tilespmem:s23], [sflag:$0x4] =	stream.indirect.gather [hbm4b:s11+s17], $0x40, s16, s17, $0xb8;
	[tilespmem:$0x1BBC0] =	vst v63  }
0x91: {  	_ =	swait.ge [sflag:s24], $0x1400  }
0x92: {  	[sflag:s24] =	ssyncset.done $0x0  }
0x93: {  	s0 =	simm.s32 $0x9AB0;
	[sflag:s24] =	ssyncadd.s32 $0xFFFFEC00  }
0x94: {  	[spmem:s2] =	stream.indirect.scatter.add.f32 [tilespmem:s18], [sflag:$0x6], $0x40, s0, s17, $0xb8;
	[tilespmem:$0x1BBC0] =	vst v63  }
0x95: {  	_ =	swait.ge [sflag:s15], $0x1400  }
0x96: {  	[sflag:s15] =	ssyncset.done $0x0  }
0x97: {  	[sflag:s15] =	ssyncadd.s32 $0xFFFFEC00  }
0x98: {  	[tilespmem:s25], [sflag:$0x5] =	stream.indirect.gather [hbm4b:s11+s17], $0x40, s1, s17, $0xb8;
	[tilespmem:$0x1BBC0] =	vst v63  }
0x99: {  	_ =	swait.ge [sflag:s26], $0x1400  }
0x9a: {  	[sflag:s26] =	ssyncset.done $0x0  }
0x9b: {  	s16 =	simm.s32 $0x9B00;
	[sflag:s26] =	ssyncadd.s32 $0xFFFFEC00  }
0x9c: {  	[spmem:s2] =	stream.indirect.scatter.add.f32 [tilespmem:s19], [sflag:$0x6], $0x40, s16, s17, $0xb8;
	[tilespmem:$0x1BBC0] =	vst v63  }
0x9d: {  	_ =	swait.ge [sflag:s15], $0x1400  }
0x9e: {  	[sflag:s15] =	ssyncset.done $0x0  }
0x9f: {  	[sflag:s15] =	ssyncadd.s32 $0xFFFFEC00  }
0xa0: {  	[tilespmem:s18], [sflag:$0x1] =	stream.indirect.gather [hbm4b:s11+s17], $0x40, s1, s17, $0xb8;
	[tilespmem:$0x1BBC0] =	vst v63  }
0xa1: {  	_ =	swait.ge [sflag:s28], $0x1400  }
0xa2: {  	[sflag:s28] =	ssyncset.done $0x0  }
0xa3: {  	s31 =	simm.s32 $0x9B50;
	[sflag:s28] =	ssyncadd.s32 $0xFFFFEC00  }
0xa4: {  	[spmem:s2] =	stream.indirect.scatter.add.f32 [tilespmem:s21], [sflag:$0x6], $0x40, s31, s17, $0xb8;
	[tilespmem:$0x1BBC0] =	vst v63  }
0xa5: {  	_ =	swait.ge [sflag:s15], $0x1400  }
0xa6: {  	[sflag:s15] =	ssyncset.done $0x0  }
0xa7: {  	[sflag:s15] =	ssyncadd.s32 $0xFFFFEC00  }
0xa8: {  	[tilespmem:s19], [sflag:$0x2] =	stream.indirect.gather [hbm4b:s11+s17], $0x40, s1, s17, $0xb8;
	[tilespmem:$0x1BBC0] =	vst v63  }
0xa9: {  	_ =	swait.ge [sflag:s29], $0x1400  }
0xaa: {  	[sflag:s29] =	ssyncset.done $0x0  }
0xab: {  	[sflag:s29] =	ssyncadd.s32 $0xFFFFEC00  }
0xac: {  	[spmem:s2] =	stream.indirect.scatter.add.f32 [tilespmem:s23], [sflag:$0x6], $0x40, s20, s17, $0xb8;
	[tilespmem:$0x1BBC0] =	vst v63  }
0xad: {  	_ =	swait.ge [sflag:s15], $0x1400  }
0xae: {  	[sflag:s15] =	ssyncset.done $0x0  }
0xaf: {  	[sflag:s15] =	ssyncadd.s32 $0xFFFFEC00  }
0xb0: {  	[tilespmem:s21], [sflag:$0x3] =	stream.indirect.gather [hbm4b:s11+s17], $0x40, s1, s17, $0xb8;
	[tilespmem:$0x1BBC0] =	vst v63  }
0xb1: {  	_ =	swait.ge [sflag:s30], $0x1400  }
0xb2: {  	[sflag:s30] =	ssyncset.done $0x0  }
0xb3: {  	[sflag:s30] =	ssyncadd.s32 $0xFFFFEC00  }
0xb4: {  	[spmem:s2] =	stream.indirect.scatter.add.f32 [tilespmem:s25], [sflag:$0x6], $0x40, s22, s17, $0xb8;
	[tilespmem:$0x1BBC0] =	vst v63  }
0xb5: {  	_ =	swait.ge [sflag:s15], $0x1400  }
0xb6: {  	[sflag:s15] =	ssyncset.done $0x0  }
0xb7: {  	[sflag:s15] =	ssyncadd.s32 $0xFFFFEC00  }
0xb8: {  	[tilespmem:s23], [sflag:$0x4] =	stream.indirect.gather [hbm4b:s11+s17], $0x40, s1, s17, $0xb8;
	[tilespmem:$0x1BBC0] =	vst v63  }
0xb9: {  	_ =	swait.ge [sflag:s24], $0x1400  }
0xba: {  	[sflag:s24] =	ssyncset.done $0x0  }
0xbb: {  	[sflag:s24] =	ssyncadd.s32 $0xFFFFEC00  }
0xbc: {  	_ =	swait.ge [sflag:s26], $0x1400  }
0xbd: {  	[sflag:s26] =	ssyncset.done $0x0  }
0xbe: {  	[sflag:s26] =	ssyncadd.s32 $0xFFFFEC00  }
0xbf: {  	_ =	swait.ge [sflag:s28], $0x1400  }
0xc0: {  	[sflag:s28] =	ssyncset.done $0x0  }
0xc1: {  	[sflag:s28] =	ssyncadd.s32 $0xFFFFEC00  }
0xc2: {  	s16 =	stileid.u32;
	_ =	swait.ge [sflag:s29], $0x1400  }
0xc3: {  	s3 =	sadd.s32 $0x1, s3;
	s0 =	sshll.u32 s16, $0x6;
	[sflag:s29] =	ssyncset.done $0x0  }
0xc4: {  	p0 =	sne.s32 s3, s13;
	s0 =	sor.u32 $0x1C06, s0;
	[sflag:s29] =	ssyncadd.s32 $0xFFFFEC00  }
.Ltmp2:
0xc5: {  	s31 =	sshrl.u32 s4, $0x3;
	[bflag:$0x0] =	sbarrier.arrive $0xFFFF;
	(pc) =	sbr.rel @p0 .LBB2_1-.Ltmp2, $4  }
0xc6: {  	[hbm:s12], [sflag:s0] =	dma.local [spmem:s31], $0x1388  }
0xc7: {  	_ =	swait.ge [sflag:s15], $0x1388  }
0xc8: {  	[sflag:s15] =	ssyncset.done $0x0  }
0xc9: {  	[sflag:s15] =	ssyncadd.s32 $0xFFFFEC78  }
0xca: {  	_ =	sfence.sel $0x180000  }
0xcb: {  	[bflag:$0x0] =	sbarrier.arrive $0xFFFF  }
0xcc: {  	_ =	strace $0x9000004A  }
0xcd: {  	s0 =	stileid.u32;
	[bflag:$0x2] =	sbarrier.arrive $0xFFFF  }
0xce: {  	p0 =	sne.s32 s0, $0x0;
	s0 =	rddreg [dreg:$0x3]  }
0xcf: {  	s0 =	sadd.s32 @!p0 $0x100000, s0  }
0xd0: {  	[sflag:s0] =	ssyncadd.tile.s32 @!p0 $0x1;
	_ =	shalt  }
.Lfunc_end2:
_tile_overlayer_lowered:
.L_overlay_start_2:
0xd1: {  	(tag) =	ssettag $0x2  }
0xd2: {  	s0 =	rddreg [dreg:$0x0];
	s2 =	stileid.u32  }
0xd3: {  	s1 =	rddreg [dreg:$0x1];
	p0 =	sne.s32 s2, $0x0  }
0xd4: {  	s3 =	rddreg [dreg:$0x2];
	[bflag:$0x3] =	sbarrier.arrive $0xFFFF;
	s2 =	simm.s32 @!p0 $0x1C06  }
0xd5: {  	[timem:s3], [sflag:s2] =	dma.local @!p0 [hbm:s0], s1  }
0xd6: {  	s0 =	simm.s32 @!p0 $0x6  }
0xd7: {  	_ =	swait.ge @!p0 [sflag:s0], s1  }
0xd8: {  	s1 =	ssub.s32 @!p0 $0x0, s1;
	[sflag:s0] =	ssyncset.done @!p0 $0x0  }
0xd9: {  	[sflag:s0] =	ssyncadd.s32 @!p0 s1  }
0xda: {  	[bflag:$0x3] =	sbarrier.arrive $0xFFFF  }
0xdb: {  	_ =	shalt  }

</sc_bundles>
